<compile_context>
chip_gen: v7x
topology: tpu7x:2x2x1
jax: 0.10.2.dev20260603
libtpu: 0.0.44.dev20260713+nightly
codegen_flags: <defaults>
</compile_context>

<pallas_src>
import jax
import jax.numpy as jnp
from jax import lax
from jax.experimental import pallas as pl
from jax.experimental.pallas import tpu as pltpu
from jax.experimental.pallas import tpu_sc as plsc

N_POOLED = 50000
N_UNPOOLED = 100000
D = 512
NC, NS, L = 2, 16, 16
NW = NC * NS
IDS_CHUNK = 2000
N_ID_CHUNKS = N_POOLED // IDS_CHUNK
VECS_PER_CHUNK = IDS_CHUNK // L
HALF = VECS_PER_CHUNK // 2
FLAG_VECS = 196
CAP = 3200
CAPP = CAP + L
IDS_STAGE = 1664
DATA_ROWS = 1568
DATA_TRIPS = DATA_ROWS // 32
CHUNK = 32
NBUF = 4


def _splat(x, idx):
    return lax.gather(
        x, idx[:, None],
        dimension_numbers=lax.GatherDimensionNumbers(
            offset_dims=(), collapsed_slice_dims=(0,), start_index_map=(0,)),
        slice_sizes=(1,),
        mode=lax.GatherScatterMode.PROMISE_IN_BOUNDS)


def _body(pooled_hbm, ids_hbm, zeros_hbm, pad_hbm, out_hbm,
          idsA, idsB, srcbuf, dstbuf, zdstbuf, flagbuf, padbuf,
          zbuf, rowA, rowB, rowC, rowD,
          sem_z, sem_g, sem_s, sem_i):
    cid = lax.axis_index("c")
    sid = lax.axis_index("s")
    wid = sid * NC + cid
    base = wid * 3120 + jnp.minimum(wid, 20) * 8
    rangew = jnp.where(wid < 20, 3128, 3120)

    pltpu.sync_copy(zeros_hbm, zbuf)
    pltpu.sync_copy(pad_hbm, padbuf)

    zero16 = jnp.zeros((L,), jnp.int32)

    def clear_body(i, _):
        flagbuf[pl.ds(i * L, L)] = zero16
        return 0
    lax.fori_loop(0, FLAG_VECS, clear_body, 0)

    lane0 = jnp.zeros((L,), jnp.int32)
    one16 = jnp.ones((L,), jnp.int32)
    iota16 = lax.iota(jnp.int32, L)

    def scan_chunk(buf):
        def vec_body(i, _):
            v = buf[pl.ds(i * L, L)]
            m = (v >= base) & (v < base + rangew)
            plsc.store_scatter(flagbuf, [v - base], one16, mask=m)
            return 0

        lax.fori_loop(0, VECS_PER_CHUNK, vec_body, 0)

    def load_ids(cc, buf):
        pltpu.async_copy(ids_hbm.at[pl.ds(cc * IDS_CHUNK, IDS_CHUNK)], buf,
                         sem_i)

    def wait_ids(buf):
        pltpu.make_async_copy(ids_hbm.at[pl.ds(0, IDS_CHUNK)], buf,
                              sem_i).wait()

    load_ids(0, idsA)
    load_ids(1, idsB)

    def chunk_pair(p, _):
        wait_ids(idsA)
        scan_chunk(idsA)

        @pl.when(2 * p + 2 < N_ID_CHUNKS)
        def _():
            load_ids(2 * p + 2, idsA)
        wait_ids(idsB)
        scan_chunk(idsB)

        @pl.when(2 * p + 3 < N_ID_CHUNKS)
        def _():
            load_ids(2 * p + 3, idsB)
        return 0

    lax.fori_loop(0, N_ID_CHUNKS // 2, chunk_pair, 0)
    wait_ids(idsA)
    scan_chunk(idsA)

    base_i = wid * 1562 + jnp.minimum(wid, 16)
    base_lin = (base_i // 8) * 8
    astart = jnp.minimum((base_i // L) * L, N_POOLED - IDS_STAGE)
    off = base_lin - astart
    pltpu.sync_copy(ids_hbm.at[pl.ds(astart, IDS_STAGE)],
                    idsA.at[pl.ds(0, IDS_STAGE)])

    def fill_body(k, _):
        dv = plsc.load_gather(idsA, [off + k * L + iota16])
        dstbuf[pl.ds(k * L, L)] = dv
        return 0

    lax.fori_loop(0, DATA_ROWS // L, fill_body, 0)

    lane15 = jnp.full((L,), 15, jnp.int32)

    def comp_body(k, carry):
        nz_vec, zmax_vec = carry
        rel = lax.iota(jnp.int32, L) + k * L
        f = flagbuf[pl.ds(k * L, L)]
        mz = (f == 0) & (rel < rangew)
        absrow = base + rel
        pfz = plsc.cumsum(mz.astype(jnp.int32))
        plsc.store_scatter(zdstbuf, [nz_vec + pfz - 1], absrow, mask=mz)
        vals = jnp.where(mz, absrow, -1)
        zmax_vec = jnp.maximum(zmax_vec, _splat(plsc.cummax(vals), lane15))
        return nz_vec + _splat(pfz, lane15), zmax_vec

    nz_vec, zmax_vec = lax.fori_loop(
        0, FLAG_VECS, comp_body,
        (jnp.zeros((L,), jnp.int32), jnp.full((L,), -1, jnp.int32)))
    nz = jnp.max(nz_vec)
    for j in range(CHUNK // L):
        zpadpos = nz + lax.iota(jnp.int32, L) + j * L
        plsc.store_scatter(zdstbuf, [zpadpos], zmax_vec)

    trips = DATA_TRIPS
    tripsz = (nz + CHUNK - 1) // CHUNK
    bufs = [rowA, rowB, rowC, rowD]

    def issue_gather(t, buf):
        pltpu.async_copy(
            pooled_hbm.at[pl.ds(base_lin + t * CHUNK, CHUNK)], buf, sem_g)

    def wait_gather(buf):
        pltpu.make_async_copy(
            pooled_hbm.at[pl.ds(0, CHUNK)], buf, sem_g).wait()

    def wait_scatter(sem):
        pltpu.make_async_copy(
            rowA, out_hbm.at[dstbuf.at[pl.ds(0, CHUNK)]], sem).wait()

    def step(t, mine, ahead2):
        wait_gather(mine)
        pltpu.async_copy(
            mine, out_hbm.at[dstbuf.at[pl.ds(t * CHUNK, CHUNK)]], sem_s)

        @pl.when(t + 2 < trips)
        def _():
            @pl.when(t >= 2)
            def _():
                wait_scatter(sem_s)
            issue_gather(t + 2, ahead2)

    issue_gather(0, rowA)
    issue_gather(1, rowB)

    def pipe(t, _):
        @pl.when(t < tripsz)
        def _():
            pltpu.async_copy(
                zbuf, out_hbm.at[zdstbuf.at[pl.ds(t * CHUNK, CHUNK)]], sem_z)

        @pl.when(t < trips)
        def _():
            for r in range(NBUF):
                @pl.when(lax.rem(t, NBUF) == r)
                def _(r=r):
                    step(t, bufs[r], bufs[(r + 2) % NBUF])
        return 0

    lax.fori_loop(0, jnp.maximum(trips, tripsz), pipe, 0)

    lax.fori_loop(0, jnp.minimum(trips, NBUF),
                  lambda i, _: (wait_scatter(sem_s), 0)[1], 0)
    lax.fori_loop(0, tripsz,
                  lambda i, _: (wait_scatter(sem_z), 0)[1], 0)


def kernel(pooled_energy, node_ids, n_unpooled):
    ids32 = node_ids.astype(jnp.int32)
    zeros_in = jnp.zeros((CHUNK, D), jnp.float32)
    pad_in = jnp.broadcast_to(ids32[0], (L,))
    call = pl.kernel(
        _body,
        out_type=jax.ShapeDtypeStruct((N_UNPOOLED, D), jnp.float32),
        mesh=plsc.VectorSubcoreMesh(core_axis_name="c", subcore_axis_name="s"),
        compiler_params=pltpu.CompilerParams(needs_layout_passes=False),
        scratch_types=[
            pltpu.VMEM((IDS_CHUNK,), jnp.int32),
            pltpu.VMEM((IDS_CHUNK,), jnp.int32),
            pltpu.VMEM((CAPP,), jnp.int32),
            pltpu.VMEM((CAPP,), jnp.int32),
            pltpu.VMEM((CAP,), jnp.int32),
            pltpu.VMEM((FLAG_VECS * L,), jnp.int32),
            pltpu.VMEM((L,), jnp.int32),
            pltpu.VMEM((CHUNK, D), jnp.float32),
            pltpu.VMEM((CHUNK, D), jnp.float32),
            pltpu.VMEM((CHUNK, D), jnp.float32),
            pltpu.VMEM((CHUNK, D), jnp.float32),
            pltpu.VMEM((CHUNK, D), jnp.float32),
            pltpu.SemaphoreType.DMA,
            pltpu.SemaphoreType.DMA,
            pltpu.SemaphoreType.DMA,
            pltpu.SemaphoreType.DMA,
        ],
    )
    return call(pooled_energy, ids32, zeros_in, pad_in)

# --- scband reference (transcript-rebuilt; emitter-appended) ---
"""Pipeline reference for scband-up-pool-51384988729801 (READ-ONLY COPY).

The authoritative reference and input builder live on the scoring server;
editing this copy changes nothing except your own understanding.
"""

import jax, jax.numpy as jnp
import numpy as np

N_POOLED = 50000
N_UNPOOLED = 100000
FEAT_DIM = 512

def setup_inputs(seed: int = 0) -> dict:
    key = jax.random.key(seed)
    k1, k2 = jax.random.split(key)
    pooled_energy = jax.random.normal(k1, (N_POOLED, FEAT_DIM), dtype=jnp.float32)
    # selected node _IDs are unique node indices in the unpooled graph
    node_ids = jax.random.permutation(k2, N_UNPOOLED)[:N_POOLED]
    return {"pooled_energy": pooled_energy, "node_ids": node_ids, "n_unpooled": N_UNPOOLED}

def reference(pooled_energy, node_ids, n_unpooled):
    # UpPool core: x = zeros(n_unpooled, dim); x.scatter_(0, expanded_ids, pooled_features)
    # expanded_node = selected_nodes[:, None].expand_as(pooled_features) means each
    # pooled row is written wholesale to row node_ids[i] of the unpooled feature matrix.
    x = jnp.zeros((N_UNPOOLED, pooled_energy.shape[1]), dtype=pooled_energy.dtype)
    ids = jnp.minimum(node_ids, n_unpooled - 1)
    x = x.at[ids].set(pooled_energy)
    return x

if __name__ == "__main__":
    import jax
    _d = setup_inputs()
    print(jax.jit(kernel)(*tuple(_d.values())))

</pallas_src>

<mosaic_0001>
#map = affine_map<(d0, d1) -> (0, 0)>
#map1 = affine_map<(d0, d1) -> (0)>
module attributes {stable_mosaic.version = 14 : i64} {
  func.func @_body(%arg0: i32, %arg1: i32, %arg2: memref<50000x512xf32, #tpu.memory_space<hbm>>, %arg3: memref<50000xi32, #tpu.memory_space<hbm>>, %arg4: memref<32x512xf32, #tpu.memory_space<hbm>>, %arg5: memref<16xi32, #tpu.memory_space<hbm>>, %arg6: memref<100000x512xf32, #tpu.memory_space<hbm>>, %arg7: memref<2000xi32, #tpu.memory_space<vmem>>, %arg8: memref<2000xi32, #tpu.memory_space<vmem>>, %arg9: memref<3216xi32, #tpu.memory_space<vmem>>, %arg10: memref<3216xi32, #tpu.memory_space<vmem>>, %arg11: memref<3200xi32, #tpu.memory_space<vmem>>, %arg12: memref<3136xi32, #tpu.memory_space<vmem>>, %arg13: memref<16xi32, #tpu.memory_space<vmem>>, %arg14: memref<32x512xf32, #tpu.memory_space<vmem>>, %arg15: memref<32x512xf32, #tpu.memory_space<vmem>>, %arg16: memref<32x512xf32, #tpu.memory_space<vmem>>, %arg17: memref<32x512xf32, #tpu.memory_space<vmem>>, %arg18: memref<32x512xf32, #tpu.memory_space<vmem>>, %arg19: memref<!tpu.dma_semaphore, #tpu.memory_space<semaphore_mem>>, %arg20: memref<!tpu.dma_semaphore, #tpu.memory_space<semaphore_mem>>, %arg21: memref<!tpu.dma_semaphore, #tpu.memory_space<semaphore_mem>>, %arg22: memref<!tpu.dma_semaphore, #tpu.memory_space<semaphore_mem>>) attributes {dimension_semantics = [#tpu.dimension_semantics<core_parallel>, #tpu.dimension_semantics<subcore_parallel>], iteration_bounds = array<i64: 2, 16>, scalar_prefetch = 0 : i64, scratch_operands = 16 : i64, tpu.core_type = #tpu.core_type<sc_vector_subcore>, window_params = [{transform_indices = #map}, {transform_indices = #map1}, {transform_indices = #map}, {transform_indices = #map1}, {transform_indices = #map}]} {
    %mul3A = arith.constant 2 : i32
    %mul3A_0 = arith.muli %arg1, %mul3A : i32
    %add3A = arith.addi %mul3A_0, %arg0 : i32
    %mul3A_1 = arith.constant 3120 : i32
    %mul3A_2 = arith.muli %add3A, %mul3A_1 : i32
    %min3A = arith.constant 20 : i32
    %min3A_3 = arith.minsi %add3A, %min3A : i32
    %mul3A_4 = arith.constant 8 : i32
    %mul3A_5 = arith.muli %min3A_3, %mul3A_4 : i32
    %add3A_6 = arith.addi %mul3A_2, %mul3A_5 : i32
    %lt3A = arith.constant 20 : i32
    %lt3A_7 = arith.cmpi slt, %add3A, %lt3A : i32
    %jit3A = arith.constant 3128 : i32
    %jit3A_8 = arith.constant 3120 : i32
    %select_n3A = arith.select %lt3A_7, %jit3A, %jit3A_8 : i32
    "tpu.region"() ({
      %run_scoped3A = tpu.sem_alloc : memref<!tpu.dma_semaphore, #tpu.memory_space<semaphore_mem>>
      tpu.enqueue_dma source(%arg4 : memref<32x512xf32, #tpu.memory_space<hbm>>) target(%arg14 : memref<32x512xf32, #tpu.memory_space<vmem>>) target_semaphore(%run_scoped3A : memref<!tpu.dma_semaphore, #tpu.memory_space<semaphore_mem>>)
      tpu.wait_dma2 semaphore(%run_scoped3A : memref<!tpu.dma_semaphore, #tpu.memory_space<semaphore_mem>>) src(%arg4 : memref<32x512xf32, #tpu.memory_space<hbm>>) dst(%arg14 : memref<32x512xf32, #tpu.memory_space<vmem>>)
      tpu.yield
    }) : () -> ()
    "tpu.region"() ({
      %run_scoped3A = tpu.sem_alloc : memref<!tpu.dma_semaphore, #tpu.memory_space<semaphore_mem>>
      tpu.enqueue_dma source(%arg5 : memref<16xi32, #tpu.memory_space<hbm>>) target(%arg13 : memref<16xi32, #tpu.memory_space<vmem>>) target_semaphore(%run_scoped3A : memref<!tpu.dma_semaphore, #tpu.memory_space<semaphore_mem>>)
      tpu.wait_dma2 semaphore(%run_scoped3A : memref<!tpu.dma_semaphore, #tpu.memory_space<semaphore_mem>>) src(%arg5 : memref<16xi32, #tpu.memory_space<hbm>>) dst(%arg13 : memref<16xi32, #tpu.memory_space<vmem>>)
      tpu.yield
    }) : () -> ()
    %broadcast_in_dim3A = arith.constant 0 : i32
    %broadcast_in_dim3A_9 = vector.broadcast %broadcast_in_dim3A : i32 to vector<16xi32>
    %scan3A = arith.constant 0 : i32
    %scan3A_10 = arith.constant 0 : i32
    %scan3A_11 = arith.constant 196 : i32
    %scan3A_12 = arith.addi %scan3A_10, %scan3A_11 : i32
    %scan3A_13 = arith.constant 1 : i32
    %scan3A_14 = scf.for %scan3A_215 = %scan3A_10 to %scan3A_12 step %scan3A_13 iter_args(%scan3A_216 = %scan3A) -> (i32)  : i32 {
      %mul3A_217 = arith.constant 16 : i32
      %mul3A_218 = arith.muli %scan3A_215, %mul3A_217 : i32
      %swap3A = arith.index_cast %mul3A_218 : i32 to index
      %swap3A_219 = tpu.vector_load %arg12[%swap3A] {strides = array<i32>} : memref<3136xi32, #tpu.memory_space<vmem>>, vector<16xi32>,
      tpu.vector_store %arg12[%swap3A], %broadcast_in_dim3A_9 {strides = array<i32>} : memref<3136xi32, #tpu.memory_space<vmem>>, vector<16xi32>,
      %scan3A_220 = arith.constant 0 : i32
      scf.yield %scan3A_220 : i32
    }
    %scan3A_15 = arith.constant 196 : i32
    %broadcast_in_dim3A_16 = arith.constant 0 : i32
    %broadcast_in_dim3A_17 = vector.broadcast %broadcast_in_dim3A_16 : i32 to vector<16xi32>
    %broadcast_in_dim3A_18 = arith.constant 1 : i32
    %broadcast_in_dim3A_19 = vector.broadcast %broadcast_in_dim3A_18 : i32 to vector<16xi32>
    %iota3A = tpu.iota {dimensions = array<i32: 0>} : vector<16xi32>
    %dma_start3A = arith.constant 0 : i32
    %dma_start3A_20 = tpu.memref_slice %arg3[%dma_start3A] : memref<50000xi32, #tpu.memory_space<hbm>> -> memref<2000xi32, #tpu.memory_space<hbm>>
    %dma_start3A_21 = arith.constant 0 : i32
    %dma_start3A_22 = tpu.memref_slice %arg3[%dma_start3A_21] : memref<50000xi32, #tpu.memory_space<hbm>> -> memref<2000xi32, #tpu.memory_space<hbm>>
    tpu.enqueue_dma source(%dma_start3A_22 : memref<2000xi32, #tpu.memory_space<hbm>>) target(%arg7 : memref<2000xi32, #tpu.memory_space<vmem>>) target_semaphore(%arg22 : memref<!tpu.dma_semaphore, #tpu.memory_space<semaphore_mem>>)
    %dma_start3A_23 = arith.constant 2000 : i32
    %dma_start3A_24 = tpu.memref_slice %arg3[%dma_start3A_23] : memref<50000xi32, #tpu.memory_space<hbm>> -> memref<2000xi32, #tpu.memory_space<hbm>>
    %dma_start3A_25 = arith.constant 2000 : i32
    %dma_start3A_26 = tpu.memref_slice %arg3[%dma_start3A_25] : memref<50000xi32, #tpu.memory_space<hbm>> -> memref<2000xi32, #tpu.memory_space<hbm>>
    tpu.enqueue_dma source(%dma_start3A_26 : memref<2000xi32, #tpu.memory_space<hbm>>) target(%arg8 : memref<2000xi32, #tpu.memory_space<vmem>>) target_semaphore(%arg22 : memref<!tpu.dma_semaphore, #tpu.memory_space<semaphore_mem>>)
    %scan3A_27 = arith.constant 0 : i32
    %scan3A_28 = arith.constant 0 : i32
    %scan3A_29 = arith.constant 12 : i32
    %scan3A_30 = arith.addi %scan3A_28, %scan3A_29 : i32
    %scan3A_31 = arith.constant 1 : i32
    %scan3A_32 = scf.for %scan3A_215 = %scan3A_28 to %scan3A_30 step %scan3A_31 iter_args(%scan3A_216 = %scan3A_27) -> (i32)  : i32 {
      %dma_wait3A_217 = arith.constant 0 : i32
      %dma_wait3A_218 = tpu.memref_slice %arg3[%dma_wait3A_217] : memref<50000xi32, #tpu.memory_space<hbm>> -> memref<2000xi32, #tpu.memory_space<hbm>>
      %dma_wait3A_219 = arith.constant 0 : i32
      %dma_wait3A_220 = tpu.memref_slice %arg3[%dma_wait3A_219] : memref<50000xi32, #tpu.memory_space<hbm>> -> memref<2000xi32, #tpu.memory_space<hbm>>
      tpu.wait_dma2 semaphore(%arg22 : memref<!tpu.dma_semaphore, #tpu.memory_space<semaphore_mem>>) src(%dma_wait3A_220 : memref<2000xi32, #tpu.memory_space<hbm>>) dst(%arg7 : memref<2000xi32, #tpu.memory_space<vmem>>)
      %scan3A_221 = arith.constant 0 : i32
      %scan3A_222 = arith.constant 0 : i32
      %scan3A_223 = arith.constant 125 : i32
      %scan3A_224 = arith.addi %scan3A_222, %scan3A_223 : i32
      %scan3A_225 = arith.constant 1 : i32
      %scan3A_226 = scf.for %scan3A_256 = %scan3A_222 to %scan3A_224 step %scan3A_225 iter_args(%scan3A_257 = %scan3A_221) -> (i32)  : i32 {
        %mul3A_258 = arith.constant 16 : i32
        %mul3A_259 = arith.muli %scan3A_256, %mul3A_258 : i32
        %get3A = arith.index_cast %mul3A_259 : i32 to index
        %get3A_260 = tpu.vector_load %arg7[%get3A] {strides = array<i32>} : memref<2000xi32, #tpu.memory_space<vmem>>, vector<16xi32>,
        %ge3A = vector.broadcast %add3A_6 : i32 to vector<16xi32>
        %ge3A_261 = arith.cmpi sge, %get3A_260, %ge3A : vector<16xi32>
        %add3A_262 = arith.addi %add3A_6, %select_n3A : i32
        %lt3A_263 = vector.broadcast %add3A_262 : i32 to vector<16xi32>
        %lt3A_264 = arith.cmpi slt, %get3A_260, %lt3A_263 : vector<16xi32>
        %and3A_265 = arith.andi %ge3A_261, %lt3A_264 : vector<16xi1>
        %sub3A_266 = vector.broadcast %add3A_6 : i32 to vector<16xi32>
        %sub3A_267 = arith.subi %get3A_260, %sub3A_266 : vector<16xi32>
        tpu.vector_store_idx %arg12[%sub3A_267], %broadcast_in_dim3A_19 masked %and3A_265 : memref<3136xi32, #tpu.memory_space<vmem>>[vector<16xi32>], vector<16xi32>, vector<16xi1>
        %scan3A_268 = arith.constant 0 : i32
        scf.yield %scan3A_268 : i32
      }
      %scan3A_227 = arith.constant 125 : i32
      %mul3A_228 = arith.constant 2 : i32
      %mul3A_229 = arith.muli %mul3A_228, %scan3A_215 : i32
      %add3A_230 = arith.constant 2 : i32
      %add3A_231 = arith.addi %mul3A_229, %add3A_230 : i32
      %lt3A_232 = arith.constant 25 : i32
      %lt3A_233 = arith.cmpi slt, %add3A_231, %lt3A_232 : i32
      %convert_element_type3A = arith.extui %lt3A_233 : i1 to i32
      %cond3A = arith.constant 0 : i32
      %cond3A_234 = arith.cmpi ne, %convert_element_type3A, %cond3A : i32
      scf.if %cond3A_234 {
        %mul3A_256 = arith.constant 2 : i32
        %mul3A_257 = arith.muli %mul3A_256, %scan3A_215 : i32
        %add3A_258 = arith.constant 2 : i32
        %add3A_259 = arith.addi %mul3A_257, %add3A_258 : i32
        %mul3A_260 = arith.constant 2000 : i32
        %mul3A_261 = arith.muli %add3A_259, %mul3A_260 : i32
        %dma_start3A_262 = tpu.memref_slice %arg3[%mul3A_261] : memref<50000xi32, #tpu.memory_space<hbm>> -> memref<2000xi32, #tpu.memory_space<hbm>>
        %dma_start3A_263 = tpu.memref_slice %arg3[%mul3A_261] : memref<50000xi32, #tpu.memory_space<hbm>> -> memref<2000xi32, #tpu.memory_space<hbm>>
        tpu.enqueue_dma source(%dma_start3A_263 : memref<2000xi32, #tpu.memory_space<hbm>>) target(%arg7 : memref<2000xi32, #tpu.memory_space<vmem>>) target_semaphore(%arg22 : memref<!tpu.dma_semaphore, #tpu.memory_space<semaphore_mem>>)
      } else {
      }
      %dma_wait3A_235 = arith.constant 0 : i32
      %dma_wait3A_236 = tpu.memref_slice %arg3[%dma_wait3A_235] : memref<50000xi32, #tpu.memory_space<hbm>> -> memref<2000xi32, #tpu.memory_space<hbm>>
      %dma_wait3A_237 = arith.constant 0 : i32
      %dma_wait3A_238 = tpu.memref_slice %arg3[%dma_wait3A_237] : memref<50000xi32, #tpu.memory_space<hbm>> -> memref<2000xi32, #tpu.memory_space<hbm>>
      tpu.wait_dma2 semaphore(%arg22 : memref<!tpu.dma_semaphore, #tpu.memory_space<semaphore_mem>>) src(%dma_wait3A_238 : memref<2000xi32, #tpu.memory_space<hbm>>) dst(%arg8 : memref<2000xi32, #tpu.memory_space<vmem>>)
      %scan3A_239 = arith.constant 0 : i32
      %scan3A_240 = arith.constant 0 : i32
      %scan3A_241 = arith.constant 125 : i32
      %scan3A_242 = arith.addi %scan3A_240, %scan3A_241 : i32
      %scan3A_243 = arith.constant 1 : i32
      %scan3A_244 = scf.for %scan3A_256 = %scan3A_240 to %scan3A_242 step %scan3A_243 iter_args(%scan3A_257 = %scan3A_239) -> (i32)  : i32 {
        %mul3A_258 = arith.constant 16 : i32
        %mul3A_259 = arith.muli %scan3A_256, %mul3A_258 : i32
        %get3A = arith.index_cast %mul3A_259 : i32 to index
        %get3A_260 = tpu.vector_load %arg8[%get3A] {strides = array<i32>} : memref<2000xi32, #tpu.memory_space<vmem>>, vector<16xi32>,
        %ge3A = vector.broadcast %add3A_6 : i32 to vector<16xi32>
        %ge3A_261 = arith.cmpi sge, %get3A_260, %ge3A : vector<16xi32>
        %add3A_262 = arith.addi %add3A_6, %select_n3A : i32
        %lt3A_263 = vector.broadcast %add3A_262 : i32 to vector<16xi32>
        %lt3A_264 = arith.cmpi slt, %get3A_260, %lt3A_263 : vector<16xi32>
        %and3A_265 = arith.andi %ge3A_261, %lt3A_264 : vector<16xi1>
        %sub3A_266 = vector.broadcast %add3A_6 : i32 to vector<16xi32>
        %sub3A_267 = arith.subi %get3A_260, %sub3A_266 : vector<16xi32>
        tpu.vector_store_idx %arg12[%sub3A_267], %broadcast_in_dim3A_19 masked %and3A_265 : memref<3136xi32, #tpu.memory_space<vmem>>[vector<16xi32>], vector<16xi32>, vector<16xi1>
        %scan3A_268 = arith.constant 0 : i32
        scf.yield %scan3A_268 : i32
      }
      %scan3A_245 = arith.constant 125 : i32
      %mul3A_246 = arith.constant 2 : i32
      %mul3A_247 = arith.muli %mul3A_246, %scan3A_215 : i32
      %add3A_248 = arith.constant 3 : i32
      %add3A_249 = arith.addi %mul3A_247, %add3A_248 : i32
      %lt3A_250 = arith.constant 25 : i32
      %lt3A_251 = arith.cmpi slt, %add3A_249, %lt3A_250 : i32
      %convert_element_type3A_252 = arith.extui %lt3A_251 : i1 to i32
      %cond3A_253 = arith.constant 0 : i32
      %cond3A_254 = arith.cmpi ne, %convert_element_type3A_252, %cond3A_253 : i32
      scf.if %cond3A_254 {
        %mul3A_256 = arith.constant 2 : i32
        %mul3A_257 = arith.muli %mul3A_256, %scan3A_215 : i32
        %add3A_258 = arith.constant 3 : i32
        %add3A_259 = arith.addi %mul3A_257, %add3A_258 : i32
        %mul3A_260 = arith.constant 2000 : i32
        %mul3A_261 = arith.muli %add3A_259, %mul3A_260 : i32
        %dma_start3A_262 = tpu.memref_slice %arg3[%mul3A_261] : memref<50000xi32, #tpu.memory_space<hbm>> -> memref<2000xi32, #tpu.memory_space<hbm>>
        %dma_start3A_263 = tpu.memref_slice %arg3[%mul3A_261] : memref<50000xi32, #tpu.memory_space<hbm>> -> memref<2000xi32, #tpu.memory_space<hbm>>
        tpu.enqueue_dma source(%dma_start3A_263 : memref<2000xi32, #tpu.memory_space<hbm>>) target(%arg8 : memref<2000xi32, #tpu.memory_space<vmem>>) target_semaphore(%arg22 : memref<!tpu.dma_semaphore, #tpu.memory_space<semaphore_mem>>)
      } else {
      }
      %scan3A_255 = arith.constant 0 : i32
      scf.yield %scan3A_255 : i32
    }
    %scan3A_33 = arith.constant 12 : i32
    %dma_wait3A = arith.constant 0 : i32
    %dma_wait3A_34 = tpu.memref_slice %arg3[%dma_wait3A] : memref<50000xi32, #tpu.memory_space<hbm>> -> memref<2000xi32, #tpu.memory_space<hbm>>
    %dma_wait3A_35 = arith.constant 0 : i32
    %dma_wait3A_36 = tpu.memref_slice %arg3[%dma_wait3A_35] : memref<50000xi32, #tpu.memory_space<hbm>> -> memref<2000xi32, #tpu.memory_space<hbm>>
    tpu.wait_dma2 semaphore(%arg22 : memref<!tpu.dma_semaphore, #tpu.memory_space<semaphore_mem>>) src(%dma_wait3A_36 : memref<2000xi32, #tpu.memory_space<hbm>>) dst(%arg7 : memref<2000xi32, #tpu.memory_space<vmem>>)
    %scan3A_37 = arith.constant 0 : i32
    %scan3A_38 = arith.constant 0 : i32
    %scan3A_39 = arith.constant 125 : i32
    %scan3A_40 = arith.addi %scan3A_38, %scan3A_39 : i32
    %scan3A_41 = arith.constant 1 : i32
    %scan3A_42 = scf.for %scan3A_215 = %scan3A_38 to %scan3A_40 step %scan3A_41 iter_args(%scan3A_216 = %scan3A_37) -> (i32)  : i32 {
      %mul3A_217 = arith.constant 16 : i32
      %mul3A_218 = arith.muli %scan3A_215, %mul3A_217 : i32
      %get3A = arith.index_cast %mul3A_218 : i32 to index
      %get3A_219 = tpu.vector_load %arg7[%get3A] {strides = array<i32>} : memref<2000xi32, #tpu.memory_space<vmem>>, vector<16xi32>,
      %ge3A = vector.broadcast %add3A_6 : i32 to vector<16xi32>
      %ge3A_220 = arith.cmpi sge, %get3A_219, %ge3A : vector<16xi32>
      %add3A_221 = arith.addi %add3A_6, %select_n3A : i32
      %lt3A_222 = vector.broadcast %add3A_221 : i32 to vector<16xi32>
      %lt3A_223 = arith.cmpi slt, %get3A_219, %lt3A_222 : vector<16xi32>
      %and3A_224 = arith.andi %ge3A_220, %lt3A_223 : vector<16xi1>
      %sub3A_225 = vector.broadcast %add3A_6 : i32 to vector<16xi32>
      %sub3A_226 = arith.subi %get3A_219, %sub3A_225 : vector<16xi32>
      tpu.vector_store_idx %arg12[%sub3A_226], %broadcast_in_dim3A_19 masked %and3A_224 : memref<3136xi32, #tpu.memory_space<vmem>>[vector<16xi32>], vector<16xi32>, vector<16xi1>
      %scan3A_227 = arith.constant 0 : i32
      scf.yield %scan3A_227 : i32
    }
    %scan3A_43 = arith.constant 125 : i32
    %mul3A_44 = arith.constant 1562 : i32
    %mul3A_45 = arith.muli %add3A, %mul3A_44 : i32
    %min3A_46 = arith.constant 16 : i32
    %min3A_47 = arith.minsi %add3A, %min3A_46 : i32
    %add3A_48 = arith.addi %mul3A_45, %min3A_47 : i32
    %jit3A_49 = arith.constant 8 : i32
    %div3A = arith.divsi %add3A_48, %jit3A_49 : i32
    %sign3A = arith.constant 0 : i32
    %sign3A_50 = arith.cmpi sgt, %add3A_48, %sign3A : i32
    %sign3A_51 = arith.extui %sign3A_50 : i1 to i32
    %sign3A_52 = arith.constant 0 : i32
    %sign3A_53 = arith.cmpi slt, %add3A_48, %sign3A_52 : i32
    %sign3A_54 = arith.extui %sign3A_53 : i1 to i32
    %sign3A_55 = arith.subi %sign3A_51, %sign3A_54 : i32
    %sign3A_56 = arith.constant 0 : i32
    %sign3A_57 = arith.cmpi sgt, %jit3A_49, %sign3A_56 : i32
    %sign3A_58 = arith.extui %sign3A_57 : i1 to i32
    %sign3A_59 = arith.constant 0 : i32
    %sign3A_60 = arith.cmpi slt, %jit3A_49, %sign3A_59 : i32
    %sign3A_61 = arith.extui %sign3A_60 : i1 to i32
    %sign3A_62 = arith.subi %sign3A_58, %sign3A_61 : i32
    %ne3A = arith.cmpi ne, %sign3A_55, %sign3A_62 : i32
    %rem3A = arith.remsi %add3A_48, %jit3A_49 : i32
    %ne3A_63 = arith.constant 0 : i32
    %ne3A_64 = arith.cmpi ne, %rem3A, %ne3A_63 : i32
    %and3A = arith.andi %ne3A, %ne3A_64 : i1
    %sub3A = arith.constant 1 : i32
    %sub3A_65 = arith.subi %div3A, %sub3A : i32
    %select_n3A_66 = arith.select %and3A, %sub3A_65, %div3A : i32
    %mul3A_67 = arith.constant 8 : i32
    %mul3A_68 = arith.muli %select_n3A_66, %mul3A_67 : i32
    %jit3A_69 = arith.constant 16 : i32
    %div3A_70 = arith.divsi %add3A_48, %jit3A_69 : i32
    %sign3A_71 = arith.constant 0 : i32
    %sign3A_72 = arith.cmpi sgt, %add3A_48, %sign3A_71 : i32
    %sign3A_73 = arith.extui %sign3A_72 : i1 to i32
    %sign3A_74 = arith.constant 0 : i32
    %sign3A_75 = arith.cmpi slt, %add3A_48, %sign3A_74 : i32
    %sign3A_76 = arith.extui %sign3A_75 : i1 to i32
    %sign3A_77 = arith.subi %sign3A_73, %sign3A_76 : i32
    %sign3A_78 = arith.constant 0 : i32
    %sign3A_79 = arith.cmpi sgt, %jit3A_69, %sign3A_78 : i32
    %sign3A_80 = arith.extui %sign3A_79 : i1 to i32
    %sign3A_81 = arith.constant 0 : i32
    %sign3A_82 = arith.cmpi slt, %jit3A_69, %sign3A_81 : i32
    %sign3A_83 = arith.extui %sign3A_82 : i1 to i32
    %sign3A_84 = arith.subi %sign3A_80, %sign3A_83 : i32
    %ne3A_85 = arith.cmpi ne, %sign3A_77, %sign3A_84 : i32
    %rem3A_86 = arith.remsi %add3A_48, %jit3A_69 : i32
    %ne3A_87 = arith.constant 0 : i32
    %ne3A_88 = arith.cmpi ne, %rem3A_86, %ne3A_87 : i32
    %and3A_89 = arith.andi %ne3A_85, %ne3A_88 : i1
    %sub3A_90 = arith.constant 1 : i32
    %sub3A_91 = arith.subi %div3A_70, %sub3A_90 : i32
    %select_n3A_92 = arith.select %and3A_89, %sub3A_91, %div3A_70 : i32
    %mul3A_93 = arith.constant 16 : i32
    %mul3A_94 = arith.muli %select_n3A_92, %mul3A_93 : i32
    %min3A_95 = arith.constant 48336 : i32
    %min3A_96 = arith.minsi %mul3A_94, %min3A_95 : i32
    %sub3A_97 = arith.subi %mul3A_68, %min3A_96 : i32
    "tpu.region"() ({
      %run_scoped3A = tpu.sem_alloc : memref<!tpu.dma_semaphore, #tpu.memory_space<semaphore_mem>>
      %dma_start3A_215 = arith.constant 0 : i32
      %dma_start3A_216 = tpu.memref_slice %arg7[%dma_start3A_215] : memref<2000xi32, #tpu.memory_space<vmem>> -> memref<1664xi32, #tpu.memory_space<vmem>>
      %dma_start3A_217 = tpu.memref_slice %arg3[%min3A_96] : memref<50000xi32, #tpu.memory_space<hbm>> -> memref<1664xi32, #tpu.memory_space<hbm>>
      %dma_start3A_218 = arith.constant 0 : i32
      %dma_start3A_219 = tpu.memref_slice %arg7[%dma_start3A_218] : memref<2000xi32, #tpu.memory_space<vmem>> -> memref<1664xi32, #tpu.memory_space<vmem>>
      %dma_start3A_220 = tpu.memref_slice %arg3[%min3A_96] : memref<50000xi32, #tpu.memory_space<hbm>> -> memref<1664xi32, #tpu.memory_space<hbm>>
      tpu.enqueue_dma source(%dma_start3A_220 : memref<1664xi32, #tpu.memory_space<hbm>>) target(%dma_start3A_219 : memref<1664xi32, #tpu.memory_space<vmem>>) target_semaphore(%run_scoped3A : memref<!tpu.dma_semaphore, #tpu.memory_space<semaphore_mem>>)
      %dma_wait3A_221 = arith.constant 0 : i32
      %dma_wait3A_222 = tpu.memref_slice %arg7[%dma_wait3A_221] : memref<2000xi32, #tpu.memory_space<vmem>> -> memref<1664xi32, #tpu.memory_space<vmem>>
      %dma_wait3A_223 = tpu.memref_slice %arg3[%min3A_96] : memref<50000xi32, #tpu.memory_space<hbm>> -> memref<1664xi32, #tpu.memory_space<hbm>>
      %dma_wait3A_224 = arith.constant 0 : i32
      %dma_wait3A_225 = tpu.memref_slice %arg7[%dma_wait3A_224] : memref<2000xi32, #tpu.memory_space<vmem>> -> memref<1664xi32, #tpu.memory_space<vmem>>
      %dma_wait3A_226 = tpu.memref_slice %arg3[%min3A_96] : memref<50000xi32, #tpu.memory_space<hbm>> -> memref<1664xi32, #tpu.memory_space<hbm>>
      tpu.wait_dma2 semaphore(%run_scoped3A : memref<!tpu.dma_semaphore, #tpu.memory_space<semaphore_mem>>) src(%dma_wait3A_226 : memref<1664xi32, #tpu.memory_space<hbm>>) dst(%dma_wait3A_225 : memref<1664xi32, #tpu.memory_space<vmem>>)
      tpu.yield
    }) : () -> ()
    %scan3A_98 = arith.constant 0 : i32
    %scan3A_99 = arith.constant 0 : i32
    %scan3A_100 = arith.constant 98 : i32
    %scan3A_101 = arith.addi %scan3A_99, %scan3A_100 : i32
    %scan3A_102 = arith.constant 1 : i32
    %scan3A_103 = scf.for %scan3A_215 = %scan3A_99 to %scan3A_101 step %scan3A_102 iter_args(%scan3A_216 = %scan3A_98) -> (i32)  : i32 {
      %mul3A_217 = arith.constant 16 : i32
      %mul3A_218 = arith.muli %scan3A_215, %mul3A_217 : i32
      %add3A_219 = arith.addi %sub3A_97, %mul3A_218 : i32
      %add3A_220 = vector.broadcast %add3A_219 : i32 to vector<16xi32>
      %add3A_221 = arith.addi %add3A_220, %iota3A : vector<16xi32>
      %gather3A = tpu.vector_load_idx %arg7[%add3A_221] : memref<2000xi32, #tpu.memory_space<vmem>>[vector<16xi32>], vector<16xi32>,
      %mul3A_222 = arith.constant 16 : i32
      %mul3A_223 = arith.muli %scan3A_215, %mul3A_222 : i32
      %swap3A = arith.index_cast %mul3A_223 : i32 to index
      %swap3A_224 = tpu.vector_load %arg10[%swap3A] {strides = array<i32>} : memref<3216xi32, #tpu.memory_space<vmem>>, vector<16xi32>,
      tpu.vector_store %arg10[%swap3A], %gather3A {strides = array<i32>} : memref<3216xi32, #tpu.memory_space<vmem>>, vector<16xi32>,
      %scan3A_225 = arith.constant 0 : i32
      scf.yield %scan3A_225 : i32
    }
    %scan3A_104 = arith.constant 98 : i32
    %broadcast_in_dim3A_105 = arith.constant 15 : i32
    %broadcast_in_dim3A_106 = vector.broadcast %broadcast_in_dim3A_105 : i32 to vector<16xi32>
    %broadcast_in_dim3A_107 = arith.constant 0 : i32
    %broadcast_in_dim3A_108 = vector.broadcast %broadcast_in_dim3A_107 : i32 to vector<16xi32>
    %broadcast_in_dim3A_109 = arith.constant -1 : i32
    %broadcast_in_dim3A_110 = vector.broadcast %broadcast_in_dim3A_109 : i32 to vector<16xi32>
    %scan3A_111 = arith.constant 0 : i32
    %scan3A_112 = arith.constant 196 : i32
    %scan3A_113 = arith.addi %scan3A_111, %scan3A_112 : i32
    %scan3A_114 = arith.constant 1 : i32
    %scan3A_115:2 = scf.for %scan3A_215 = %scan3A_111 to %scan3A_113 step %scan3A_114 iter_args(%scan3A_216 = %broadcast_in_dim3A_108, %scan3A_217 = %broadcast_in_dim3A_110) -> (vector<16xi32>, vector<16xi32>)  : i32 {
      %iota3A_218 = tpu.iota {dimensions = array<i32: 0>} : vector<16xi32>
      %mul3A_219 = arith.constant 16 : i32
      %mul3A_220 = arith.muli %scan3A_215, %mul3A_219 : i32
      %add3A_221 = vector.broadcast %mul3A_220 : i32 to vector<16xi32>
      %add3A_222 = arith.addi %iota3A_218, %add3A_221 : vector<16xi32>
      %mul3A_223 = arith.constant 16 : i32
      %mul3A_224 = arith.muli %scan3A_215, %mul3A_223 : i32
      %get3A = arith.index_cast %mul3A_224 : i32 to index
      %get3A_225 = tpu.vector_load %arg12[%get3A] {strides = array<i32>} : memref<3136xi32, #tpu.memory_space<vmem>>, vector<16xi32>,
      %eq3A = arith.constant 0 : i32
      %eq3A_226 = vector.broadcast %eq3A : i32 to vector<16xi32>
      %eq3A_227 = arith.cmpi eq, %get3A_225, %eq3A_226 : vector<16xi32>
      %lt3A_228 = vector.broadcast %select_n3A : i32 to vector<16xi32>
      %lt3A_229 = arith.cmpi slt, %add3A_222, %lt3A_228 : vector<16xi32>
      %and3A_230 = arith.andi %eq3A_227, %lt3A_229 : vector<16xi1>
      %add3A_231 = vector.broadcast %add3A_6 : i32 to vector<16xi32>
      %add3A_232 = arith.addi %add3A_231, %add3A_222 : vector<16xi32>
      %convert_element_type3A = arith.extui %and3A_230 : vector<16xi1> to vector<16xi32>
      %broadcast_in_dim3A_233 = arith.constant true
      %broadcast_in_dim3A_234 = vector.broadcast %broadcast_in_dim3A_233 : i1 to vector<16xi1>
      %masked_cumsum3A = tpu.scan <sum>, %convert_element_type3A masked %broadcast_in_dim3A_234 : vector<16xi32>, vector<16xi1> -> vector<16xi32>
      %add3A_235 = arith.addi %scan3A_216, %masked_cumsum3A : vector<16xi32>
      %sub3A_236 = arith.constant 1 : i32
      %sub3A_237 = vector.broadcast %sub3A_236 : i32 to vector<16xi32>
      %sub3A_238 = arith.subi %add3A_235, %sub3A_237 : vector<16xi32>
      tpu.vector_store_idx %arg11[%sub3A_238], %add3A_232 masked %and3A_230 : memref<3200xi32, #tpu.memory_space<vmem>>[vector<16xi32>], vector<16xi32>, vector<16xi1>
      %jit3A_239 = arith.constant -1 : i32
      %broadcast_in_dim3A_240 = vector.broadcast %jit3A_239 : i32 to vector<16xi32>
      %select_n3A_241 = arith.select %and3A_230, %add3A_232, %broadcast_in_dim3A_240 : vector<16xi1>, vector<16xi32>
      %broadcast_in_dim3A_242 = arith.constant true
      %broadcast_in_dim3A_243 = vector.broadcast %broadcast_in_dim3A_242 : i1 to vector<16xi1>
      %masked_cummax3A = arith.constant -2147483648 : i32
      %masked_cummax3A_244 = vector.broadcast %masked_cummax3A : i32 to vector<16xi32>
      %masked_cummax3A_245 = arith.xori %select_n3A_241, %masked_cummax3A_244 : vector<16xi32>
      %masked_cummax3A_246 = tpu.scan <max>, %masked_cummax3A_245 masked %broadcast_in_dim3A_243 : vector<16xi32>, vector<16xi1> -> vector<16xi32>
      %masked_cummax3A_247 = arith.xori %masked_cummax3A_246, %masked_cummax3A_244 : vector<16xi32>
      %broadcast_in_dim3A_248 = vector.shape_cast %broadcast_in_dim3A_106 : vector<16xi32> to vector<16x1xi32>
      %gather3A = vector.shape_cast %broadcast_in_dim3A_248 : vector<16x1xi32> to vector<16xi32>
      %gather3A_249 = tpu.dynamic_gather %masked_cummax3A_247[%gather3A] in [0] : vector<16xi32>, vector<16xi32> -> vector<16xi32>
      %max3A_250 = arith.maxsi %scan3A_217, %gather3A_249 : vector<16xi32>
      %broadcast_in_dim3A_251 = vector.shape_cast %broadcast_in_dim3A_106 : vector<16xi32> to vector<16x1xi32>
      %gather3A_252 = vector.shape_cast %broadcast_in_dim3A_251 : vector<16x1xi32> to vector<16xi32>
      %gather3A_253 = tpu.dynamic_gather %masked_cumsum3A[%gather3A_252] in [0] : vector<16xi32>, vector<16xi32> -> vector<16xi32>
      %add3A_254 = arith.addi %scan3A_216, %gather3A_253 : vector<16xi32>
      scf.yield %add3A_254, %max3A_250 : vector<16xi32>, vector<16xi32>
    }
    %scan3A_116 = arith.constant 196 : i32
    %reduce_max3A = arith.constant true
    %reduce_max3A_117 = vector.broadcast %reduce_max3A : i1 to vector<16xi1>
    %reduce_max3A_118 = arith.constant -2147483648 : i32
    %reduce_max3A_119 = vector.broadcast %reduce_max3A_118 : i32 to vector<16xi32>
    %reduce_max3A_120 = arith.xori %scan3A_115#0, %reduce_max3A_119 : vector<16xi32>
    %reduce_max3A_121 = tpu.scan <max>, %reduce_max3A_120 masked %reduce_max3A_117 : vector<16xi32>, vector<16xi1> -> vector<16xi32>
    %reduce_max3A_122 = arith.xori %reduce_max3A_121, %reduce_max3A_119 : vector<16xi32>
    %reduce_max3A_123 = vector.extract %reduce_max3A_122[15] : i32 from vector<16xi32>
    %iota3A_124 = tpu.iota {dimensions = array<i32: 0>} : vector<16xi32>
    %add3A_125 = vector.broadcast %reduce_max3A_123 : i32 to vector<16xi32>
    %add3A_126 = arith.addi %add3A_125, %iota3A_124 : vector<16xi32>
    %add3A_127 = arith.constant 0 : i32
    %add3A_128 = vector.broadcast %add3A_127 : i32 to vector<16xi32>
    %add3A_129 = arith.addi %add3A_126, %add3A_128 : vector<16xi32>
    tpu.vector_store_idx %arg11[%add3A_129], %scan3A_115#1 : memref<3200xi32, #tpu.memory_space<vmem>>[vector<16xi32>], vector<16xi32>,
    %iota3A_130 = tpu.iota {dimensions = array<i32: 0>} : vector<16xi32>
    %add3A_131 = vector.broadcast %reduce_max3A_123 : i32 to vector<16xi32>
    %add3A_132 = arith.addi %add3A_131, %iota3A_130 : vector<16xi32>
    %add3A_133 = arith.constant 16 : i32
    %add3A_134 = vector.broadcast %add3A_133 : i32 to vector<16xi32>
    %add3A_135 = arith.addi %add3A_132, %add3A_134 : vector<16xi32>
    tpu.vector_store_idx %arg11[%add3A_135], %scan3A_115#1 : memref<3200xi32, #tpu.memory_space<vmem>>[vector<16xi32>], vector<16xi32>,
    %add3A_136 = arith.constant 32 : i32
    %add3A_137 = arith.addi %reduce_max3A_123, %add3A_136 : i32
    %sub3A_138 = arith.constant 1 : i32
    %sub3A_139 = arith.subi %add3A_137, %sub3A_138 : i32
    %jit3A_140 = arith.constant 32 : i32
    %div3A_141 = arith.divsi %sub3A_139, %jit3A_140 : i32
    %sign3A_142 = arith.constant 0 : i32
    %sign3A_143 = arith.cmpi sgt, %sub3A_139, %sign3A_142 : i32
    %sign3A_144 = arith.extui %sign3A_143 : i1 to i32
    %sign3A_145 = arith.constant 0 : i32
    %sign3A_146 = arith.cmpi slt, %sub3A_139, %sign3A_145 : i32
    %sign3A_147 = arith.extui %sign3A_146 : i1 to i32
    %sign3A_148 = arith.subi %sign3A_144, %sign3A_147 : i32
    %sign3A_149 = arith.constant 0 : i32
    %sign3A_150 = arith.cmpi sgt, %jit3A_140, %sign3A_149 : i32
    %sign3A_151 = arith.extui %sign3A_150 : i1 to i32
    %sign3A_152 = arith.constant 0 : i32
    %sign3A_153 = arith.cmpi slt, %jit3A_140, %sign3A_152 : i32
    %sign3A_154 = arith.extui %sign3A_153 : i1 to i32
    %sign3A_155 = arith.subi %sign3A_151, %sign3A_154 : i32
    %ne3A_156 = arith.cmpi ne, %sign3A_148, %sign3A_155 : i32
    %rem3A_157 = arith.remsi %sub3A_139, %jit3A_140 : i32
    %ne3A_158 = arith.constant 0 : i32
    %ne3A_159 = arith.cmpi ne, %rem3A_157, %ne3A_158 : i32
    %and3A_160 = arith.andi %ne3A_156, %ne3A_159 : i1
    %sub3A_161 = arith.constant 1 : i32
    %sub3A_162 = arith.subi %div3A_141, %sub3A_161 : i32
    %select_n3A_163 = arith.select %and3A_160, %sub3A_162, %div3A_141 : i32
    %add3A_164 = arith.constant 0 : i32
    %add3A_165 = arith.addi %mul3A_68, %add3A_164 : i32
    %dma_start3A_166 = arith.constant 0 : i32
    %dma_start3A_167 = tpu.memref_slice %arg2[%add3A_165, %dma_start3A_166] : memref<50000x512xf32, #tpu.memory_space<hbm>> -> memref<32x512xf32, #tpu.memory_space<hbm>>
    %dma_start3A_168 = arith.constant 0 : i32
    %dma_start3A_169 = tpu.memref_slice %arg2[%add3A_165, %dma_start3A_168] : memref<50000x512xf32, #tpu.memory_space<hbm>> -> memref<32x512xf32, #tpu.memory_space<hbm>>
    tpu.enqueue_dma source(%dma_start3A_169 : memref<32x512xf32, #tpu.memory_space<hbm>>) target(%arg15 : memref<32x512xf32, #tpu.memory_space<vmem>>) target_semaphore(%arg20 : memref<!tpu.dma_semaphore, #tpu.memory_space<semaphore_mem>>)
    %add3A_170 = arith.constant 32 : i32
    %add3A_171 = arith.addi %mul3A_68, %add3A_170 : i32
    %dma_start3A_172 = arith.constant 0 : i32
    %dma_start3A_173 = tpu.memref_slice %arg2[%add3A_171, %dma_start3A_172] : memref<50000x512xf32, #tpu.memory_space<hbm>> -> memref<32x512xf32, #tpu.memory_space<hbm>>
    %dma_start3A_174 = arith.constant 0 : i32
    %dma_start3A_175 = tpu.memref_slice %arg2[%add3A_171, %dma_start3A_174] : memref<50000x512xf32, #tpu.memory_space<hbm>> -> memref<32x512xf32, #tpu.memory_space<hbm>>
    tpu.enqueue_dma source(%dma_start3A_175 : memref<32x512xf32, #tpu.memory_space<hbm>>) target(%arg16 : memref<32x512xf32, #tpu.memory_space<vmem>>) target_semaphore(%arg20 : memref<!tpu.dma_semaphore, #tpu.memory_space<semaphore_mem>>)
    %max3A = arith.constant 49 : i32
    %max3A_176 = arith.maxsi %max3A, %select_n3A_163 : i32
    %while3A = arith.constant 0 : i32
    %while3A_177 = arith.constant 0 : i32
    %while3A_178 = arith.subi %max3A_176, %while3A : i32
    %while3A_179 = arith.addi %while3A, %while3A_178 : i32
    %while3A_180 = arith.constant 1 : i32
    %while3A_181 = arith.divsi %while3A_178, %while3A_180 : i32
    %while3A_182 = arith.muli %while3A_181, %while3A_180 : i32
    %while3A_183 = arith.addi %while3A, %while3A_182 : i32
    %while3A_184 = arith.constant 1 : i32
    %while3A_185 = scf.for %while3A_215 = %while3A to %while3A_183 step %while3A_184 iter_args(%while3A_216 = %while3A_177) -> (i32)  : i32 {
      %lt3A_217 = arith.cmpi slt, %while3A_215, %select_n3A_163 : i32
      %convert_element_type3A = arith.extui %lt3A_217 : i1 to i32
      %cond3A = arith.constant 0 : i32
      %cond3A_218 = arith.cmpi ne, %convert_element_type3A, %cond3A : i32
      scf.if %cond3A_218 {
        %mul3A_225 = arith.constant 32 : i32
        %mul3A_226 = arith.muli %while3A_215, %mul3A_225 : i32
        %dma_start3A_227 = tpu.memref_slice %arg11[%mul3A_226] : memref<3200xi32, #tpu.memory_space<vmem>> -> memref<32xi32, #tpu.memory_space<vmem>>
        %dma_start3A_228 = arith.constant 0 : i32
        %dma_start3A_229 = arith.constant 0 : i32
        %dma_start3A_230 = tpu.memref_slice %arg6[%dma_start3A_228, %dma_start3A_229] : memref<100000x512xf32, #tpu.memory_space<hbm>> -> memref<100000x512xf32, #tpu.memory_space<hbm>>
        tpu.enqueue_indirect_dma source(%arg14 : memref<32x512xf32, #tpu.memory_space<vmem>>) target(%dma_start3A_230 : memref<100000x512xf32, #tpu.memory_space<hbm>>) offsets(%dma_start3A_227 : memref<32xi32, #tpu.memory_space<vmem>>) semaphore(%arg19 : memref<!tpu.dma_semaphore, #tpu.memory_space<semaphore_mem>>)
      } else {
      }
      %lt3A_219 = arith.constant 49 : i32
      %lt3A_220 = arith.cmpi slt, %while3A_215, %lt3A_219 : i32
      %convert_element_type3A_221 = arith.extui %lt3A_220 : i1 to i32
      %cond3A_222 = arith.constant 0 : i32
      %cond3A_223 = arith.cmpi ne, %convert_element_type3A_221, %cond3A_222 : i32
      scf.if %cond3A_223 {
        %rem3A_225 = arith.constant 4 : i32
        %rem3A_226 = arith.remsi %while3A_215, %rem3A_225 : i32
        %eq3A = arith.constant 0 : i32
        %eq3A_227 = arith.cmpi eq, %rem3A_226, %eq3A : i32
        %convert_element_type3A_228 = arith.extui %eq3A_227 : i1 to i32
        %cond3A_229 = arith.constant 0 : i32
        %cond3A_230 = arith.cmpi ne, %convert_element_type3A_228, %cond3A_229 : i32
        scf.if %cond3A_230 {
          %dma_wait3A_252 = arith.constant 0 : i32
          %dma_wait3A_253 = arith.constant 0 : i32
          %dma_wait3A_254 = tpu.memref_slice %arg2[%dma_wait3A_252, %dma_wait3A_253] : memref<50000x512xf32, #tpu.memory_space<hbm>> -> memref<32x512xf32, #tpu.memory_space<hbm>>
          %dma_wait3A_255 = arith.constant 0 : i32
          %dma_wait3A_256 = arith.constant 0 : i32
          %dma_wait3A_257 = tpu.memref_slice %arg2[%dma_wait3A_255, %dma_wait3A_256] : memref<50000x512xf32, #tpu.memory_space<hbm>> -> memref<32x512xf32, #tpu.memory_space<hbm>>
          tpu.wait_dma2 semaphore(%arg20 : memref<!tpu.dma_semaphore, #tpu.memory_space<semaphore_mem>>) src(%dma_wait3A_257 : memref<32x512xf32, #tpu.memory_space<hbm>>) dst(%arg15 : memref<32x512xf32, #tpu.memory_space<vmem>>)
          %mul3A_258 = arith.constant 32 : i32
          %mul3A_259 = arith.muli %while3A_215, %mul3A_258 : i32
          %dma_start3A_260 = tpu.memref_slice %arg10[%mul3A_259] : memref<3216xi32, #tpu.memory_space<vmem>> -> memref<32xi32, #tpu.memory_space<vmem>>
          %dma_start3A_261 = arith.constant 0 : i32
          %dma_start3A_262 = arith.constant 0 : i32
          %dma_start3A_263 = tpu.memref_slice %arg6[%dma_start3A_261, %dma_start3A_262] : memref<100000x512xf32, #tpu.memory_space<hbm>> -> memref<100000x512xf32, #tpu.memory_space<hbm>>
          tpu.enqueue_indirect_dma source(%arg15 : memref<32x512xf32, #tpu.memory_space<vmem>>) target(%dma_start3A_263 : memref<100000x512xf32, #tpu.memory_space<hbm>>) offsets(%dma_start3A_260 : memref<32xi32, #tpu.memory_space<vmem>>) semaphore(%arg21 : memref<!tpu.dma_semaphore, #tpu.memory_space<semaphore_mem>>)
          %add3A_264 = arith.constant 2 : i32
          %add3A_265 = arith.addi %while3A_215, %add3A_264 : i32
          %lt3A_266 = arith.constant 49 : i32
          %lt3A_267 = arith.cmpi slt, %add3A_265, %lt3A_266 : i32
          %convert_element_type3A_268 = arith.extui %lt3A_267 : i1 to i32
          %cond3A_269 = arith.constant 0 : i32
          %cond3A_270 = arith.cmpi ne, %convert_element_type3A_268, %cond3A_269 : i32
          scf.if %cond3A_270 {
            %ge3A = arith.constant 2 : i32
            %ge3A_271 = arith.cmpi sge, %while3A_215, %ge3A : i32
            %convert_element_type3A_272 = arith.extui %ge3A_271 : i1 to i32
            %cond3A_273 = arith.constant 0 : i32
            %cond3A_274 = arith.cmpi ne, %convert_element_type3A_272, %cond3A_273 : i32
            scf.if %cond3A_274 {
              %dma_wait3A_284 = arith.constant 0 : i32
              %dma_wait3A_285 = tpu.memref_slice %arg10[%dma_wait3A_284] : memref<3216xi32, #tpu.memory_space<vmem>> -> memref<32xi32, #tpu.memory_space<vmem>>
              %dma_wait3A_286 = arith.constant 0 : i32
              %dma_wait3A_287 = arith.constant 0 : i32
              %dma_wait3A_288 = tpu.memref_slice %arg6[%dma_wait3A_286, %dma_wait3A_287] : memref<100000x512xf32, #tpu.memory_space<hbm>> -> memref<100000x512xf32, #tpu.memory_space<hbm>>
              tpu.wait_indirect_dma semaphore(%arg21 : memref<!tpu.dma_semaphore, #tpu.memory_space<semaphore_mem>>) src(%arg15 : memref<32x512xf32, #tpu.memory_space<vmem>>) dst(%dma_wait3A_288 : memref<100000x512xf32, #tpu.memory_space<hbm>>)
            } else {
            }
            %add3A_275 = arith.constant 2 : i32
            %add3A_276 = arith.addi %while3A_215, %add3A_275 : i32
            %mul3A_277 = arith.constant 32 : i32
            %mul3A_278 = arith.muli %add3A_276, %mul3A_277 : i32
            %add3A_279 = arith.addi %mul3A_68, %mul3A_278 : i32
            %dma_start3A_280 = arith.constant 0 : i32
            %dma_start3A_281 = tpu.memref_slice %arg2[%add3A_279, %dma_start3A_280] : memref<50000x512xf32, #tpu.memory_space<hbm>> -> memref<32x512xf32, #tpu.memory_space<hbm>>
            %dma_start3A_282 = arith.constant 0 : i32
            %dma_start3A_283 = tpu.memref_slice %arg2[%add3A_279, %dma_start3A_282] : memref<50000x512xf32, #tpu.memory_space<hbm>> -> memref<32x512xf32, #tpu.memory_space<hbm>>
            tpu.enqueue_dma source(%dma_start3A_283 : memref<32x512xf32, #tpu.memory_space<hbm>>) target(%arg17 : memref<32x512xf32, #tpu.memory_space<vmem>>) target_semaphore(%arg20 : memref<!tpu.dma_semaphore, #tpu.memory_space<semaphore_mem>>)
          } else {
          }
        } else {
        }
        %rem3A_231 = arith.constant 4 : i32
        %rem3A_232 = arith.remsi %while3A_215, %rem3A_231 : i32
        %eq3A_233 = arith.constant 1 : i32
        %eq3A_234 = arith.cmpi eq, %rem3A_232, %eq3A_233 : i32
        %convert_element_type3A_235 = arith.extui %eq3A_234 : i1 to i32
        %cond3A_236 = arith.constant 0 : i32
        %cond3A_237 = arith.cmpi ne, %convert_element_type3A_235, %cond3A_236 : i32
        scf.if %cond3A_237 {
          %dma_wait3A_252 = arith.constant 0 : i32
          %dma_wait3A_253 = arith.constant 0 : i32
          %dma_wait3A_254 = tpu.memref_slice %arg2[%dma_wait3A_252, %dma_wait3A_253] : memref<50000x512xf32, #tpu.memory_space<hbm>> -> memref<32x512xf32, #tpu.memory_space<hbm>>
          %dma_wait3A_255 = arith.constant 0 : i32
          %dma_wait3A_256 = arith.constant 0 : i32
          %dma_wait3A_257 = tpu.memref_slice %arg2[%dma_wait3A_255, %dma_wait3A_256] : memref<50000x512xf32, #tpu.memory_space<hbm>> -> memref<32x512xf32, #tpu.memory_space<hbm>>
          tpu.wait_dma2 semaphore(%arg20 : memref<!tpu.dma_semaphore, #tpu.memory_space<semaphore_mem>>) src(%dma_wait3A_257 : memref<32x512xf32, #tpu.memory_space<hbm>>) dst(%arg16 : memref<32x512xf32, #tpu.memory_space<vmem>>)
          %mul3A_258 = arith.constant 32 : i32
          %mul3A_259 = arith.muli %while3A_215, %mul3A_258 : i32
          %dma_start3A_260 = tpu.memref_slice %arg10[%mul3A_259] : memref<3216xi32, #tpu.memory_space<vmem>> -> memref<32xi32, #tpu.memory_space<vmem>>
          %dma_start3A_261 = arith.constant 0 : i32
          %dma_start3A_262 = arith.constant 0 : i32
          %dma_start3A_263 = tpu.memref_slice %arg6[%dma_start3A_261, %dma_start3A_262] : memref<100000x512xf32, #tpu.memory_space<hbm>> -> memref<100000x512xf32, #tpu.memory_space<hbm>>
          tpu.enqueue_indirect_dma source(%arg16 : memref<32x512xf32, #tpu.memory_space<vmem>>) target(%dma_start3A_263 : memref<100000x512xf32, #tpu.memory_space<hbm>>) offsets(%dma_start3A_260 : memref<32xi32, #tpu.memory_space<vmem>>) semaphore(%arg21 : memref<!tpu.dma_semaphore, #tpu.memory_space<semaphore_mem>>)
          %add3A_264 = arith.constant 2 : i32
          %add3A_265 = arith.addi %while3A_215, %add3A_264 : i32
          %lt3A_266 = arith.constant 49 : i32
          %lt3A_267 = arith.cmpi slt, %add3A_265, %lt3A_266 : i32
          %convert_element_type3A_268 = arith.extui %lt3A_267 : i1 to i32
          %cond3A_269 = arith.constant 0 : i32
          %cond3A_270 = arith.cmpi ne, %convert_element_type3A_268, %cond3A_269 : i32
          scf.if %cond3A_270 {
            %ge3A = arith.constant 2 : i32
            %ge3A_271 = arith.cmpi sge, %while3A_215, %ge3A : i32
            %convert_element_type3A_272 = arith.extui %ge3A_271 : i1 to i32
            %cond3A_273 = arith.constant 0 : i32
            %cond3A_274 = arith.cmpi ne, %convert_element_type3A_272, %cond3A_273 : i32
            scf.if %cond3A_274 {
              %dma_wait3A_284 = arith.constant 0 : i32
              %dma_wait3A_285 = tpu.memref_slice %arg10[%dma_wait3A_284] : memref<3216xi32, #tpu.memory_space<vmem>> -> memref<32xi32, #tpu.memory_space<vmem>>
              %dma_wait3A_286 = arith.constant 0 : i32
              %dma_wait3A_287 = arith.constant 0 : i32
              %dma_wait3A_288 = tpu.memref_slice %arg6[%dma_wait3A_286, %dma_wait3A_287] : memref<100000x512xf32, #tpu.memory_space<hbm>> -> memref<100000x512xf32, #tpu.memory_space<hbm>>
              tpu.wait_indirect_dma semaphore(%arg21 : memref<!tpu.dma_semaphore, #tpu.memory_space<semaphore_mem>>) src(%arg15 : memref<32x512xf32, #tpu.memory_space<vmem>>) dst(%dma_wait3A_288 : memref<100000x512xf32, #tpu.memory_space<hbm>>)
            } else {
            }
            %add3A_275 = arith.constant 2 : i32
            %add3A_276 = arith.addi %while3A_215, %add3A_275 : i32
            %mul3A_277 = arith.constant 32 : i32
            %mul3A_278 = arith.muli %add3A_276, %mul3A_277 : i32
            %add3A_279 = arith.addi %mul3A_68, %mul3A_278 : i32
            %dma_start3A_280 = arith.constant 0 : i32
            %dma_start3A_281 = tpu.memref_slice %arg2[%add3A_279, %dma_start3A_280] : memref<50000x512xf32, #tpu.memory_space<hbm>> -> memref<32x512xf32, #tpu.memory_space<hbm>>
            %dma_start3A_282 = arith.constant 0 : i32
            %dma_start3A_283 = tpu.memref_slice %arg2[%add3A_279, %dma_start3A_282] : memref<50000x512xf32, #tpu.memory_space<hbm>> -> memref<32x512xf32, #tpu.memory_space<hbm>>
            tpu.enqueue_dma source(%dma_start3A_283 : memref<32x512xf32, #tpu.memory_space<hbm>>) target(%arg18 : memref<32x512xf32, #tpu.memory_space<vmem>>) target_semaphore(%arg20 : memref<!tpu.dma_semaphore, #tpu.memory_space<semaphore_mem>>)
          } else {
          }
        } else {
        }
        %rem3A_238 = arith.constant 4 : i32
        %rem3A_239 = arith.remsi %while3A_215, %rem3A_238 : i32
        %eq3A_240 = arith.constant 2 : i32
        %eq3A_241 = arith.cmpi eq, %rem3A_239, %eq3A_240 : i32
        %convert_element_type3A_242 = arith.extui %eq3A_241 : i1 to i32
        %cond3A_243 = arith.constant 0 : i32
        %cond3A_244 = arith.cmpi ne, %convert_element_type3A_242, %cond3A_243 : i32
        scf.if %cond3A_244 {
          %dma_wait3A_252 = arith.constant 0 : i32
          %dma_wait3A_253 = arith.constant 0 : i32
          %dma_wait3A_254 = tpu.memref_slice %arg2[%dma_wait3A_252, %dma_wait3A_253] : memref<50000x512xf32, #tpu.memory_space<hbm>> -> memref<32x512xf32, #tpu.memory_space<hbm>>
          %dma_wait3A_255 = arith.constant 0 : i32
          %dma_wait3A_256 = arith.constant 0 : i32
          %dma_wait3A_257 = tpu.memref_slice %arg2[%dma_wait3A_255, %dma_wait3A_256] : memref<50000x512xf32, #tpu.memory_space<hbm>> -> memref<32x512xf32, #tpu.memory_space<hbm>>
          tpu.wait_dma2 semaphore(%arg20 : memref<!tpu.dma_semaphore, #tpu.memory_space<semaphore_mem>>) src(%dma_wait3A_257 : memref<32x512xf32, #tpu.memory_space<hbm>>) dst(%arg17 : memref<32x512xf32, #tpu.memory_space<vmem>>)
          %mul3A_258 = arith.constant 32 : i32
          %mul3A_259 = arith.muli %while3A_215, %mul3A_258 : i32
          %dma_start3A_260 = tpu.memref_slice %arg10[%mul3A_259] : memref<3216xi32, #tpu.memory_space<vmem>> -> memref<32xi32, #tpu.memory_space<vmem>>
          %dma_start3A_261 = arith.constant 0 : i32
          %dma_start3A_262 = arith.constant 0 : i32
          %dma_start3A_263 = tpu.memref_slice %arg6[%dma_start3A_261, %dma_start3A_262] : memref<100000x512xf32, #tpu.memory_space<hbm>> -> memref<100000x512xf32, #tpu.memory_space<hbm>>
          tpu.enqueue_indirect_dma source(%arg17 : memref<32x512xf32, #tpu.memory_space<vmem>>) target(%dma_start3A_263 : memref<100000x512xf32, #tpu.memory_space<hbm>>) offsets(%dma_start3A_260 : memref<32xi32, #tpu.memory_space<vmem>>) semaphore(%arg21 : memref<!tpu.dma_semaphore, #tpu.memory_space<semaphore_mem>>)
          %add3A_264 = arith.constant 2 : i32
          %add3A_265 = arith.addi %while3A_215, %add3A_264 : i32
          %lt3A_266 = arith.constant 49 : i32
          %lt3A_267 = arith.cmpi slt, %add3A_265, %lt3A_266 : i32
          %convert_element_type3A_268 = arith.extui %lt3A_267 : i1 to i32
          %cond3A_269 = arith.constant 0 : i32
          %cond3A_270 = arith.cmpi ne, %convert_element_type3A_268, %cond3A_269 : i32
          scf.if %cond3A_270 {
            %ge3A = arith.constant 2 : i32
            %ge3A_271 = arith.cmpi sge, %while3A_215, %ge3A : i32
            %convert_element_type3A_272 = arith.extui %ge3A_271 : i1 to i32
            %cond3A_273 = arith.constant 0 : i32
            %cond3A_274 = arith.cmpi ne, %convert_element_type3A_272, %cond3A_273 : i32
            scf.if %cond3A_274 {
              %dma_wait3A_284 = arith.constant 0 : i32
              %dma_wait3A_285 = tpu.memref_slice %arg10[%dma_wait3A_284] : memref<3216xi32, #tpu.memory_space<vmem>> -> memref<32xi32, #tpu.memory_space<vmem>>
              %dma_wait3A_286 = arith.constant 0 : i32
              %dma_wait3A_287 = arith.constant 0 : i32
              %dma_wait3A_288 = tpu.memref_slice %arg6[%dma_wait3A_286, %dma_wait3A_287] : memref<100000x512xf32, #tpu.memory_space<hbm>> -> memref<100000x512xf32, #tpu.memory_space<hbm>>
              tpu.wait_indirect_dma semaphore(%arg21 : memref<!tpu.dma_semaphore, #tpu.memory_space<semaphore_mem>>) src(%arg15 : memref<32x512xf32, #tpu.memory_space<vmem>>) dst(%dma_wait3A_288 : memref<100000x512xf32, #tpu.memory_space<hbm>>)
            } else {
            }
            %add3A_275 = arith.constant 2 : i32
            %add3A_276 = arith.addi %while3A_215, %add3A_275 : i32
            %mul3A_277 = arith.constant 32 : i32
            %mul3A_278 = arith.muli %add3A_276, %mul3A_277 : i32
            %add3A_279 = arith.addi %mul3A_68, %mul3A_278 : i32
            %dma_start3A_280 = arith.constant 0 : i32
            %dma_start3A_281 = tpu.memref_slice %arg2[%add3A_279, %dma_start3A_280] : memref<50000x512xf32, #tpu.memory_space<hbm>> -> memref<32x512xf32, #tpu.memory_space<hbm>>
            %dma_start3A_282 = arith.constant 0 : i32
            %dma_start3A_283 = tpu.memref_slice %arg2[%add3A_279, %dma_start3A_282] : memref<50000x512xf32, #tpu.memory_space<hbm>> -> memref<32x512xf32, #tpu.memory_space<hbm>>
            tpu.enqueue_dma source(%dma_start3A_283 : memref<32x512xf32, #tpu.memory_space<hbm>>) target(%arg15 : memref<32x512xf32, #tpu.memory_space<vmem>>) target_semaphore(%arg20 : memref<!tpu.dma_semaphore, #tpu.memory_space<semaphore_mem>>)
          } else {
          }
        } else {
        }
        %rem3A_245 = arith.constant 4 : i32
        %rem3A_246 = arith.remsi %while3A_215, %rem3A_245 : i32
        %eq3A_247 = arith.constant 3 : i32
        %eq3A_248 = arith.cmpi eq, %rem3A_246, %eq3A_247 : i32
        %convert_element_type3A_249 = arith.extui %eq3A_248 : i1 to i32
        %cond3A_250 = arith.constant 0 : i32
        %cond3A_251 = arith.cmpi ne, %convert_element_type3A_249, %cond3A_250 : i32
        scf.if %cond3A_251 {
          %dma_wait3A_252 = arith.constant 0 : i32
          %dma_wait3A_253 = arith.constant 0 : i32
          %dma_wait3A_254 = tpu.memref_slice %arg2[%dma_wait3A_252, %dma_wait3A_253] : memref<50000x512xf32, #tpu.memory_space<hbm>> -> memref<32x512xf32, #tpu.memory_space<hbm>>
          %dma_wait3A_255 = arith.constant 0 : i32
          %dma_wait3A_256 = arith.constant 0 : i32
          %dma_wait3A_257 = tpu.memref_slice %arg2[%dma_wait3A_255, %dma_wait3A_256] : memref<50000x512xf32, #tpu.memory_space<hbm>> -> memref<32x512xf32, #tpu.memory_space<hbm>>
          tpu.wait_dma2 semaphore(%arg20 : memref<!tpu.dma_semaphore, #tpu.memory_space<semaphore_mem>>) src(%dma_wait3A_257 : memref<32x512xf32, #tpu.memory_space<hbm>>) dst(%arg18 : memref<32x512xf32, #tpu.memory_space<vmem>>)
          %mul3A_258 = arith.constant 32 : i32
          %mul3A_259 = arith.muli %while3A_215, %mul3A_258 : i32
          %dma_start3A_260 = tpu.memref_slice %arg10[%mul3A_259] : memref<3216xi32, #tpu.memory_space<vmem>> -> memref<32xi32, #tpu.memory_space<vmem>>
          %dma_start3A_261 = arith.constant 0 : i32
          %dma_start3A_262 = arith.constant 0 : i32
          %dma_start3A_263 = tpu.memref_slice %arg6[%dma_start3A_261, %dma_start3A_262] : memref<100000x512xf32, #tpu.memory_space<hbm>> -> memref<100000x512xf32, #tpu.memory_space<hbm>>
          tpu.enqueue_indirect_dma source(%arg18 : memref<32x512xf32, #tpu.memory_space<vmem>>) target(%dma_start3A_263 : memref<100000x512xf32, #tpu.memory_space<hbm>>) offsets(%dma_start3A_260 : memref<32xi32, #tpu.memory_space<vmem>>) semaphore(%arg21 : memref<!tpu.dma_semaphore, #tpu.memory_space<semaphore_mem>>)
          %add3A_264 = arith.constant 2 : i32
          %add3A_265 = arith.addi %while3A_215, %add3A_264 : i32
          %lt3A_266 = arith.constant 49 : i32
          %lt3A_267 = arith.cmpi slt, %add3A_265, %lt3A_266 : i32
          %convert_element_type3A_268 = arith.extui %lt3A_267 : i1 to i32
          %cond3A_269 = arith.constant 0 : i32
          %cond3A_270 = arith.cmpi ne, %convert_element_type3A_268, %cond3A_269 : i32
          scf.if %cond3A_270 {
            %ge3A = arith.constant 2 : i32
            %ge3A_271 = arith.cmpi sge, %while3A_215, %ge3A : i32
            %convert_element_type3A_272 = arith.extui %ge3A_271 : i1 to i32
            %cond3A_273 = arith.constant 0 : i32
            %cond3A_274 = arith.cmpi ne, %convert_element_type3A_272, %cond3A_273 : i32
            scf.if %cond3A_274 {
              %dma_wait3A_284 = arith.constant 0 : i32
              %dma_wait3A_285 = tpu.memref_slice %arg10[%dma_wait3A_284] : memref<3216xi32, #tpu.memory_space<vmem>> -> memref<32xi32, #tpu.memory_space<vmem>>
              %dma_wait3A_286 = arith.constant 0 : i32
              %dma_wait3A_287 = arith.constant 0 : i32
              %dma_wait3A_288 = tpu.memref_slice %arg6[%dma_wait3A_286, %dma_wait3A_287] : memref<100000x512xf32, #tpu.memory_space<hbm>> -> memref<100000x512xf32, #tpu.memory_space<hbm>>
              tpu.wait_indirect_dma semaphore(%arg21 : memref<!tpu.dma_semaphore, #tpu.memory_space<semaphore_mem>>) src(%arg15 : memref<32x512xf32, #tpu.memory_space<vmem>>) dst(%dma_wait3A_288 : memref<100000x512xf32, #tpu.memory_space<hbm>>)
            } else {
            }
            %add3A_275 = arith.constant 2 : i32
            %add3A_276 = arith.addi %while3A_215, %add3A_275 : i32
            %mul3A_277 = arith.constant 32 : i32
            %mul3A_278 = arith.muli %add3A_276, %mul3A_277 : i32
            %add3A_279 = arith.addi %mul3A_68, %mul3A_278 : i32
            %dma_start3A_280 = arith.constant 0 : i32
            %dma_start3A_281 = tpu.memref_slice %arg2[%add3A_279, %dma_start3A_280] : memref<50000x512xf32, #tpu.memory_space<hbm>> -> memref<32x512xf32, #tpu.memory_space<hbm>>
            %dma_start3A_282 = arith.constant 0 : i32
            %dma_start3A_283 = tpu.memref_slice %arg2[%add3A_279, %dma_start3A_282] : memref<50000x512xf32, #tpu.memory_space<hbm>> -> memref<32x512xf32, #tpu.memory_space<hbm>>
            tpu.enqueue_dma source(%dma_start3A_283 : memref<32x512xf32, #tpu.memory_space<hbm>>) target(%arg16 : memref<32x512xf32, #tpu.memory_space<vmem>>) target_semaphore(%arg20 : memref<!tpu.dma_semaphore, #tpu.memory_space<semaphore_mem>>)
          } else {
          }
        } else {
        }
      } else {
      }
      %while3A_224 = arith.constant 0 : i32
      scf.yield %while3A_224 : i32
    }
    %while3A_186 = arith.constant 1 : i32
    %while3A_187 = scf.for %while3A_215 = %while3A_183 to %while3A_179 step %while3A_186 iter_args(%while3A_216 = %while3A_185) -> (i32)  : i32 {
      %lt3A_217 = arith.cmpi slt, %while3A_215, %select_n3A_163 : i32
      %convert_element_type3A = arith.extui %lt3A_217 : i1 to i32
      %cond3A = arith.constant 0 : i32
      %cond3A_218 = arith.cmpi ne, %convert_element_type3A, %cond3A : i32
      scf.if %cond3A_218 {
        %mul3A_225 = arith.constant 32 : i32
        %mul3A_226 = arith.muli %while3A_215, %mul3A_225 : i32
        %dma_start3A_227 = tpu.memref_slice %arg11[%mul3A_226] : memref<3200xi32, #tpu.memory_space<vmem>> -> memref<32xi32, #tpu.memory_space<vmem>>
        %dma_start3A_228 = arith.constant 0 : i32
        %dma_start3A_229 = arith.constant 0 : i32
        %dma_start3A_230 = tpu.memref_slice %arg6[%dma_start3A_228, %dma_start3A_229] : memref<100000x512xf32, #tpu.memory_space<hbm>> -> memref<100000x512xf32, #tpu.memory_space<hbm>>
        tpu.enqueue_indirect_dma source(%arg14 : memref<32x512xf32, #tpu.memory_space<vmem>>) target(%dma_start3A_230 : memref<100000x512xf32, #tpu.memory_space<hbm>>) offsets(%dma_start3A_227 : memref<32xi32, #tpu.memory_space<vmem>>) semaphore(%arg19 : memref<!tpu.dma_semaphore, #tpu.memory_space<semaphore_mem>>)
      } else {
      }
      %lt3A_219 = arith.constant 49 : i32
      %lt3A_220 = arith.cmpi slt, %while3A_215, %lt3A_219 : i32
      %convert_element_type3A_221 = arith.extui %lt3A_220 : i1 to i32
      %cond3A_222 = arith.constant 0 : i32
      %cond3A_223 = arith.cmpi ne, %convert_element_type3A_221, %cond3A_222 : i32
      scf.if %cond3A_223 {
        %rem3A_225 = arith.constant 4 : i32
        %rem3A_226 = arith.remsi %while3A_215, %rem3A_225 : i32
        %eq3A = arith.constant 0 : i32
        %eq3A_227 = arith.cmpi eq, %rem3A_226, %eq3A : i32
        %convert_element_type3A_228 = arith.extui %eq3A_227 : i1 to i32
        %cond3A_229 = arith.constant 0 : i32
        %cond3A_230 = arith.cmpi ne, %convert_element_type3A_228, %cond3A_229 : i32
        scf.if %cond3A_230 {
          %dma_wait3A_252 = arith.constant 0 : i32
          %dma_wait3A_253 = arith.constant 0 : i32
          %dma_wait3A_254 = tpu.memref_slice %arg2[%dma_wait3A_252, %dma_wait3A_253] : memref<50000x512xf32, #tpu.memory_space<hbm>> -> memref<32x512xf32, #tpu.memory_space<hbm>>
          %dma_wait3A_255 = arith.constant 0 : i32
          %dma_wait3A_256 = arith.constant 0 : i32
          %dma_wait3A_257 = tpu.memref_slice %arg2[%dma_wait3A_255, %dma_wait3A_256] : memref<50000x512xf32, #tpu.memory_space<hbm>> -> memref<32x512xf32, #tpu.memory_space<hbm>>
          tpu.wait_dma2 semaphore(%arg20 : memref<!tpu.dma_semaphore, #tpu.memory_space<semaphore_mem>>) src(%dma_wait3A_257 : memref<32x512xf32, #tpu.memory_space<hbm>>) dst(%arg15 : memref<32x512xf32, #tpu.memory_space<vmem>>)
          %mul3A_258 = arith.constant 32 : i32
          %mul3A_259 = arith.muli %while3A_215, %mul3A_258 : i32
          %dma_start3A_260 = tpu.memref_slice %arg10[%mul3A_259] : memref<3216xi32, #tpu.memory_space<vmem>> -> memref<32xi32, #tpu.memory_space<vmem>>
          %dma_start3A_261 = arith.constant 0 : i32
          %dma_start3A_262 = arith.constant 0 : i32
          %dma_start3A_263 = tpu.memref_slice %arg6[%dma_start3A_261, %dma_start3A_262] : memref<100000x512xf32, #tpu.memory_space<hbm>> -> memref<100000x512xf32, #tpu.memory_space<hbm>>
          tpu.enqueue_indirect_dma source(%arg15 : memref<32x512xf32, #tpu.memory_space<vmem>>) target(%dma_start3A_263 : memref<100000x512xf32, #tpu.memory_space<hbm>>) offsets(%dma_start3A_260 : memref<32xi32, #tpu.memory_space<vmem>>) semaphore(%arg21 : memref<!tpu.dma_semaphore, #tpu.memory_space<semaphore_mem>>)
          %add3A_264 = arith.constant 2 : i32
          %add3A_265 = arith.addi %while3A_215, %add3A_264 : i32
          %lt3A_266 = arith.constant 49 : i32
          %lt3A_267 = arith.cmpi slt, %add3A_265, %lt3A_266 : i32
          %convert_element_type3A_268 = arith.extui %lt3A_267 : i1 to i32
          %cond3A_269 = arith.constant 0 : i32
          %cond3A_270 = arith.cmpi ne, %convert_element_type3A_268, %cond3A_269 : i32
          scf.if %cond3A_270 {
            %ge3A = arith.constant 2 : i32
            %ge3A_271 = arith.cmpi sge, %while3A_215, %ge3A : i32
            %convert_element_type3A_272 = arith.extui %ge3A_271 : i1 to i32
            %cond3A_273 = arith.constant 0 : i32
            %cond3A_274 = arith.cmpi ne, %convert_element_type3A_272, %cond3A_273 : i32
            scf.if %cond3A_274 {
              %dma_wait3A_284 = arith.constant 0 : i32
              %dma_wait3A_285 = tpu.memref_slice %arg10[%dma_wait3A_284] : memref<3216xi32, #tpu.memory_space<vmem>> -> memref<32xi32, #tpu.memory_space<vmem>>
              %dma_wait3A_286 = arith.constant 0 : i32
              %dma_wait3A_287 = arith.constant 0 : i32
              %dma_wait3A_288 = tpu.memref_slice %arg6[%dma_wait3A_286, %dma_wait3A_287] : memref<100000x512xf32, #tpu.memory_space<hbm>> -> memref<100000x512xf32, #tpu.memory_space<hbm>>
              tpu.wait_indirect_dma semaphore(%arg21 : memref<!tpu.dma_semaphore, #tpu.memory_space<semaphore_mem>>) src(%arg15 : memref<32x512xf32, #tpu.memory_space<vmem>>) dst(%dma_wait3A_288 : memref<100000x512xf32, #tpu.memory_space<hbm>>)
            } else {
            }
            %add3A_275 = arith.constant 2 : i32
            %add3A_276 = arith.addi %while3A_215, %add3A_275 : i32
            %mul3A_277 = arith.constant 32 : i32
            %mul3A_278 = arith.muli %add3A_276, %mul3A_277 : i32
            %add3A_279 = arith.addi %mul3A_68, %mul3A_278 : i32
            %dma_start3A_280 = arith.constant 0 : i32
            %dma_start3A_281 = tpu.memref_slice %arg2[%add3A_279, %dma_start3A_280] : memref<50000x512xf32, #tpu.memory_space<hbm>> -> memref<32x512xf32, #tpu.memory_space<hbm>>
            %dma_start3A_282 = arith.constant 0 : i32
            %dma_start3A_283 = tpu.memref_slice %arg2[%add3A_279, %dma_start3A_282] : memref<50000x512xf32, #tpu.memory_space<hbm>> -> memref<32x512xf32, #tpu.memory_space<hbm>>
            tpu.enqueue_dma source(%dma_start3A_283 : memref<32x512xf32, #tpu.memory_space<hbm>>) target(%arg17 : memref<32x512xf32, #tpu.memory_space<vmem>>) target_semaphore(%arg20 : memref<!tpu.dma_semaphore, #tpu.memory_space<semaphore_mem>>)
          } else {
          }
        } else {
        }
        %rem3A_231 = arith.constant 4 : i32
        %rem3A_232 = arith.remsi %while3A_215, %rem3A_231 : i32
        %eq3A_233 = arith.constant 1 : i32
        %eq3A_234 = arith.cmpi eq, %rem3A_232, %eq3A_233 : i32
        %convert_element_type3A_235 = arith.extui %eq3A_234 : i1 to i32
        %cond3A_236 = arith.constant 0 : i32
        %cond3A_237 = arith.cmpi ne, %convert_element_type3A_235, %cond3A_236 : i32
        scf.if %cond3A_237 {
          %dma_wait3A_252 = arith.constant 0 : i32
          %dma_wait3A_253 = arith.constant 0 : i32
          %dma_wait3A_254 = tpu.memref_slice %arg2[%dma_wait3A_252, %dma_wait3A_253] : memref<50000x512xf32, #tpu.memory_space<hbm>> -> memref<32x512xf32, #tpu.memory_space<hbm>>
          %dma_wait3A_255 = arith.constant 0 : i32
          %dma_wait3A_256 = arith.constant 0 : i32
          %dma_wait3A_257 = tpu.memref_slice %arg2[%dma_wait3A_255, %dma_wait3A_256] : memref<50000x512xf32, #tpu.memory_space<hbm>> -> memref<32x512xf32, #tpu.memory_space<hbm>>
          tpu.wait_dma2 semaphore(%arg20 : memref<!tpu.dma_semaphore, #tpu.memory_space<semaphore_mem>>) src(%dma_wait3A_257 : memref<32x512xf32, #tpu.memory_space<hbm>>) dst(%arg16 : memref<32x512xf32, #tpu.memory_space<vmem>>)
          %mul3A_258 = arith.constant 32 : i32
          %mul3A_259 = arith.muli %while3A_215, %mul3A_258 : i32
          %dma_start3A_260 = tpu.memref_slice %arg10[%mul3A_259] : memref<3216xi32, #tpu.memory_space<vmem>> -> memref<32xi32, #tpu.memory_space<vmem>>
          %dma_start3A_261 = arith.constant 0 : i32
          %dma_start3A_262 = arith.constant 0 : i32
          %dma_start3A_263 = tpu.memref_slice %arg6[%dma_start3A_261, %dma_start3A_262] : memref<100000x512xf32, #tpu.memory_space<hbm>> -> memref<100000x512xf32, #tpu.memory_space<hbm>>
          tpu.enqueue_indirect_dma source(%arg16 : memref<32x512xf32, #tpu.memory_space<vmem>>) target(%dma_start3A_263 : memref<100000x512xf32, #tpu.memory_space<hbm>>) offsets(%dma_start3A_260 : memref<32xi32, #tpu.memory_space<vmem>>) semaphore(%arg21 : memref<!tpu.dma_semaphore, #tpu.memory_space<semaphore_mem>>)
          %add3A_264 = arith.constant 2 : i32
          %add3A_265 = arith.addi %while3A_215, %add3A_264 : i32
          %lt3A_266 = arith.constant 49 : i32
          %lt3A_267 = arith.cmpi slt, %add3A_265, %lt3A_266 : i32
          %convert_element_type3A_268 = arith.extui %lt3A_267 : i1 to i32
          %cond3A_269 = arith.constant 0 : i32
          %cond3A_270 = arith.cmpi ne, %convert_element_type3A_268, %cond3A_269 : i32
          scf.if %cond3A_270 {
            %ge3A = arith.constant 2 : i32
            %ge3A_271 = arith.cmpi sge, %while3A_215, %ge3A : i32
            %convert_element_type3A_272 = arith.extui %ge3A_271 : i1 to i32
            %cond3A_273 = arith.constant 0 : i32
            %cond3A_274 = arith.cmpi ne, %convert_element_type3A_272, %cond3A_273 : i32
            scf.if %cond3A_274 {
              %dma_wait3A_284 = arith.constant 0 : i32
              %dma_wait3A_285 = tpu.memref_slice %arg10[%dma_wait3A_284] : memref<3216xi32, #tpu.memory_space<vmem>> -> memref<32xi32, #tpu.memory_space<vmem>>
              %dma_wait3A_286 = arith.constant 0 : i32
              %dma_wait3A_287 = arith.constant 0 : i32
              %dma_wait3A_288 = tpu.memref_slice %arg6[%dma_wait3A_286, %dma_wait3A_287] : memref<100000x512xf32, #tpu.memory_space<hbm>> -> memref<100000x512xf32, #tpu.memory_space<hbm>>
              tpu.wait_indirect_dma semaphore(%arg21 : memref<!tpu.dma_semaphore, #tpu.memory_space<semaphore_mem>>) src(%arg15 : memref<32x512xf32, #tpu.memory_space<vmem>>) dst(%dma_wait3A_288 : memref<100000x512xf32, #tpu.memory_space<hbm>>)
            } else {
            }
            %add3A_275 = arith.constant 2 : i32
            %add3A_276 = arith.addi %while3A_215, %add3A_275 : i32
            %mul3A_277 = arith.constant 32 : i32
            %mul3A_278 = arith.muli %add3A_276, %mul3A_277 : i32
            %add3A_279 = arith.addi %mul3A_68, %mul3A_278 : i32
            %dma_start3A_280 = arith.constant 0 : i32
            %dma_start3A_281 = tpu.memref_slice %arg2[%add3A_279, %dma_start3A_280] : memref<50000x512xf32, #tpu.memory_space<hbm>> -> memref<32x512xf32, #tpu.memory_space<hbm>>
            %dma_start3A_282 = arith.constant 0 : i32
            %dma_start3A_283 = tpu.memref_slice %arg2[%add3A_279, %dma_start3A_282] : memref<50000x512xf32, #tpu.memory_space<hbm>> -> memref<32x512xf32, #tpu.memory_space<hbm>>
            tpu.enqueue_dma source(%dma_start3A_283 : memref<32x512xf32, #tpu.memory_space<hbm>>) target(%arg18 : memref<32x512xf32, #tpu.memory_space<vmem>>) target_semaphore(%arg20 : memref<!tpu.dma_semaphore, #tpu.memory_space<semaphore_mem>>)
          } else {
          }
        } else {
        }
        %rem3A_238 = arith.constant 4 : i32
        %rem3A_239 = arith.remsi %while3A_215, %rem3A_238 : i32
        %eq3A_240 = arith.constant 2 : i32
        %eq3A_241 = arith.cmpi eq, %rem3A_239, %eq3A_240 : i32
        %convert_element_type3A_242 = arith.extui %eq3A_241 : i1 to i32
        %cond3A_243 = arith.constant 0 : i32
        %cond3A_244 = arith.cmpi ne, %convert_element_type3A_242, %cond3A_243 : i32
        scf.if %cond3A_244 {
          %dma_wait3A_252 = arith.constant 0 : i32
          %dma_wait3A_253 = arith.constant 0 : i32
          %dma_wait3A_254 = tpu.memref_slice %arg2[%dma_wait3A_252, %dma_wait3A_253] : memref<50000x512xf32, #tpu.memory_space<hbm>> -> memref<32x512xf32, #tpu.memory_space<hbm>>
          %dma_wait3A_255 = arith.constant 0 : i32
          %dma_wait3A_256 = arith.constant 0 : i32
          %dma_wait3A_257 = tpu.memref_slice %arg2[%dma_wait3A_255, %dma_wait3A_256] : memref<50000x512xf32, #tpu.memory_space<hbm>> -> memref<32x512xf32, #tpu.memory_space<hbm>>
          tpu.wait_dma2 semaphore(%arg20 : memref<!tpu.dma_semaphore, #tpu.memory_space<semaphore_mem>>) src(%dma_wait3A_257 : memref<32x512xf32, #tpu.memory_space<hbm>>) dst(%arg17 : memref<32x512xf32, #tpu.memory_space<vmem>>)
          %mul3A_258 = arith.constant 32 : i32
          %mul3A_259 = arith.muli %while3A_215, %mul3A_258 : i32
          %dma_start3A_260 = tpu.memref_slice %arg10[%mul3A_259] : memref<3216xi32, #tpu.memory_space<vmem>> -> memref<32xi32, #tpu.memory_space<vmem>>
          %dma_start3A_261 = arith.constant 0 : i32
          %dma_start3A_262 = arith.constant 0 : i32
          %dma_start3A_263 = tpu.memref_slice %arg6[%dma_start3A_261, %dma_start3A_262] : memref<100000x512xf32, #tpu.memory_space<hbm>> -> memref<100000x512xf32, #tpu.memory_space<hbm>>
          tpu.enqueue_indirect_dma source(%arg17 : memref<32x512xf32, #tpu.memory_space<vmem>>) target(%dma_start3A_263 : memref<100000x512xf32, #tpu.memory_space<hbm>>) offsets(%dma_start3A_260 : memref<32xi32, #tpu.memory_space<vmem>>) semaphore(%arg21 : memref<!tpu.dma_semaphore, #tpu.memory_space<semaphore_mem>>)
          %add3A_264 = arith.constant 2 : i32
          %add3A_265 = arith.addi %while3A_215, %add3A_264 : i32
          %lt3A_266 = arith.constant 49 : i32
          %lt3A_267 = arith.cmpi slt, %add3A_265, %lt3A_266 : i32
          %convert_element_type3A_268 = arith.extui %lt3A_267 : i1 to i32
          %cond3A_269 = arith.constant 0 : i32
          %cond3A_270 = arith.cmpi ne, %convert_element_type3A_268, %cond3A_269 : i32
          scf.if %cond3A_270 {
            %ge3A = arith.constant 2 : i32
            %ge3A_271 = arith.cmpi sge, %while3A_215, %ge3A : i32
            %convert_element_type3A_272 = arith.extui %ge3A_271 : i1 to i32
            %cond3A_273 = arith.constant 0 : i32
            %cond3A_274 = arith.cmpi ne, %convert_element_type3A_272, %cond3A_273 : i32
            scf.if %cond3A_274 {
              %dma_wait3A_284 = arith.constant 0 : i32
              %dma_wait3A_285 = tpu.memref_slice %arg10[%dma_wait3A_284] : memref<3216xi32, #tpu.memory_space<vmem>> -> memref<32xi32, #tpu.memory_space<vmem>>
              %dma_wait3A_286 = arith.constant 0 : i32
              %dma_wait3A_287 = arith.constant 0 : i32
              %dma_wait3A_288 = tpu.memref_slice %arg6[%dma_wait3A_286, %dma_wait3A_287] : memref<100000x512xf32, #tpu.memory_space<hbm>> -> memref<100000x512xf32, #tpu.memory_space<hbm>>
              tpu.wait_indirect_dma semaphore(%arg21 : memref<!tpu.dma_semaphore, #tpu.memory_space<semaphore_mem>>) src(%arg15 : memref<32x512xf32, #tpu.memory_space<vmem>>) dst(%dma_wait3A_288 : memref<100000x512xf32, #tpu.memory_space<hbm>>)
            } else {
            }
            %add3A_275 = arith.constant 2 : i32
            %add3A_276 = arith.addi %while3A_215, %add3A_275 : i32
            %mul3A_277 = arith.constant 32 : i32
            %mul3A_278 = arith.muli %add3A_276, %mul3A_277 : i32
            %add3A_279 = arith.addi %mul3A_68, %mul3A_278 : i32
            %dma_start3A_280 = arith.constant 0 : i32
            %dma_start3A_281 = tpu.memref_slice %arg2[%add3A_279, %dma_start3A_280] : memref<50000x512xf32, #tpu.memory_space<hbm>> -> memref<32x512xf32, #tpu.memory_space<hbm>>
            %dma_start3A_282 = arith.constant 0 : i32
            %dma_start3A_283 = tpu.memref_slice %arg2[%add3A_279, %dma_start3A_282] : memref<50000x512xf32, #tpu.memory_space<hbm>> -> memref<32x512xf32, #tpu.memory_space<hbm>>
            tpu.enqueue_dma source(%dma_start3A_283 : memref<32x512xf32, #tpu.memory_space<hbm>>) target(%arg15 : memref<32x512xf32, #tpu.memory_space<vmem>>) target_semaphore(%arg20 : memref<!tpu.dma_semaphore, #tpu.memory_space<semaphore_mem>>)
          } else {
          }
        } else {
        }
        %rem3A_245 = arith.constant 4 : i32
        %rem3A_246 = arith.remsi %while3A_215, %rem3A_245 : i32
        %eq3A_247 = arith.constant 3 : i32
        %eq3A_248 = arith.cmpi eq, %rem3A_246, %eq3A_247 : i32
        %convert_element_type3A_249 = arith.extui %eq3A_248 : i1 to i32
        %cond3A_250 = arith.constant 0 : i32
        %cond3A_251 = arith.cmpi ne, %convert_element_type3A_249, %cond3A_250 : i32
        scf.if %cond3A_251 {
          %dma_wait3A_252 = arith.constant 0 : i32
          %dma_wait3A_253 = arith.constant 0 : i32
          %dma_wait3A_254 = tpu.memref_slice %arg2[%dma_wait3A_252, %dma_wait3A_253] : memref<50000x512xf32, #tpu.memory_space<hbm>> -> memref<32x512xf32, #tpu.memory_space<hbm>>
          %dma_wait3A_255 = arith.constant 0 : i32
          %dma_wait3A_256 = arith.constant 0 : i32
          %dma_wait3A_257 = tpu.memref_slice %arg2[%dma_wait3A_255, %dma_wait3A_256] : memref<50000x512xf32, #tpu.memory_space<hbm>> -> memref<32x512xf32, #tpu.memory_space<hbm>>
          tpu.wait_dma2 semaphore(%arg20 : memref<!tpu.dma_semaphore, #tpu.memory_space<semaphore_mem>>) src(%dma_wait3A_257 : memref<32x512xf32, #tpu.memory_space<hbm>>) dst(%arg18 : memref<32x512xf32, #tpu.memory_space<vmem>>)
          %mul3A_258 = arith.constant 32 : i32
          %mul3A_259 = arith.muli %while3A_215, %mul3A_258 : i32
          %dma_start3A_260 = tpu.memref_slice %arg10[%mul3A_259] : memref<3216xi32, #tpu.memory_space<vmem>> -> memref<32xi32, #tpu.memory_space<vmem>>
          %dma_start3A_261 = arith.constant 0 : i32
          %dma_start3A_262 = arith.constant 0 : i32
          %dma_start3A_263 = tpu.memref_slice %arg6[%dma_start3A_261, %dma_start3A_262] : memref<100000x512xf32, #tpu.memory_space<hbm>> -> memref<100000x512xf32, #tpu.memory_space<hbm>>
          tpu.enqueue_indirect_dma source(%arg18 : memref<32x512xf32, #tpu.memory_space<vmem>>) target(%dma_start3A_263 : memref<100000x512xf32, #tpu.memory_space<hbm>>) offsets(%dma_start3A_260 : memref<32xi32, #tpu.memory_space<vmem>>) semaphore(%arg21 : memref<!tpu.dma_semaphore, #tpu.memory_space<semaphore_mem>>)
          %add3A_264 = arith.constant 2 : i32
          %add3A_265 = arith.addi %while3A_215, %add3A_264 : i32
          %lt3A_266 = arith.constant 49 : i32
          %lt3A_267 = arith.cmpi slt, %add3A_265, %lt3A_266 : i32
          %convert_element_type3A_268 = arith.extui %lt3A_267 : i1 to i32
          %cond3A_269 = arith.constant 0 : i32
          %cond3A_270 = arith.cmpi ne, %convert_element_type3A_268, %cond3A_269 : i32
          scf.if %cond3A_270 {
            %ge3A = arith.constant 2 : i32
            %ge3A_271 = arith.cmpi sge, %while3A_215, %ge3A : i32
            %convert_element_type3A_272 = arith.extui %ge3A_271 : i1 to i32
            %cond3A_273 = arith.constant 0 : i32
            %cond3A_274 = arith.cmpi ne, %convert_element_type3A_272, %cond3A_273 : i32
            scf.if %cond3A_274 {
              %dma_wait3A_284 = arith.constant 0 : i32
              %dma_wait3A_285 = tpu.memref_slice %arg10[%dma_wait3A_284] : memref<3216xi32, #tpu.memory_space<vmem>> -> memref<32xi32, #tpu.memory_space<vmem>>
              %dma_wait3A_286 = arith.constant 0 : i32
              %dma_wait3A_287 = arith.constant 0 : i32
              %dma_wait3A_288 = tpu.memref_slice %arg6[%dma_wait3A_286, %dma_wait3A_287] : memref<100000x512xf32, #tpu.memory_space<hbm>> -> memref<100000x512xf32, #tpu.memory_space<hbm>>
              tpu.wait_indirect_dma semaphore(%arg21 : memref<!tpu.dma_semaphore, #tpu.memory_space<semaphore_mem>>) src(%arg15 : memref<32x512xf32, #tpu.memory_space<vmem>>) dst(%dma_wait3A_288 : memref<100000x512xf32, #tpu.memory_space<hbm>>)
            } else {
            }
            %add3A_275 = arith.constant 2 : i32
            %add3A_276 = arith.addi %while3A_215, %add3A_275 : i32
            %mul3A_277 = arith.constant 32 : i32
            %mul3A_278 = arith.muli %add3A_276, %mul3A_277 : i32
            %add3A_279 = arith.addi %mul3A_68, %mul3A_278 : i32
            %dma_start3A_280 = arith.constant 0 : i32
            %dma_start3A_281 = tpu.memref_slice %arg2[%add3A_279, %dma_start3A_280] : memref<50000x512xf32, #tpu.memory_space<hbm>> -> memref<32x512xf32, #tpu.memory_space<hbm>>
            %dma_start3A_282 = arith.constant 0 : i32
            %dma_start3A_283 = tpu.memref_slice %arg2[%add3A_279, %dma_start3A_282] : memref<50000x512xf32, #tpu.memory_space<hbm>> -> memref<32x512xf32, #tpu.memory_space<hbm>>
            tpu.enqueue_dma source(%dma_start3A_283 : memref<32x512xf32, #tpu.memory_space<hbm>>) target(%arg16 : memref<32x512xf32, #tpu.memory_space<vmem>>) target_semaphore(%arg20 : memref<!tpu.dma_semaphore, #tpu.memory_space<semaphore_mem>>)
          } else {
          }
        } else {
        }
      } else {
      }
      %while3A_224 = arith.constant 0 : i32
      scf.yield %while3A_224 : i32
    }
    %min3A_188 = arith.constant 49 : i32
    %min3A_189 = arith.constant 4 : i32
    %min3A_190 = arith.minsi %min3A_188, %min3A_189 : i32
    %while3A_191 = arith.constant 0 : i32
    %while3A_192 = arith.constant 0 : i32
    %while3A_193 = arith.subi %min3A_190, %while3A_191 : i32
    %while3A_194 = arith.addi %while3A_191, %while3A_193 : i32
    %while3A_195 = arith.constant 1 : i32
    %while3A_196 = arith.divsi %while3A_193, %while3A_195 : i32
    %while3A_197 = arith.muli %while3A_196, %while3A_195 : i32
    %while3A_198 = arith.addi %while3A_191, %while3A_197 : i32
    %while3A_199 = arith.constant 1 : i32
    %while3A_200 = scf.for %while3A_215 = %while3A_191 to %while3A_198 step %while3A_199 iter_args(%while3A_216 = %while3A_192) -> (i32)  : i32 {
      %dma_wait3A_217 = arith.constant 0 : i32
      %dma_wait3A_218 = tpu.memref_slice %arg10[%dma_wait3A_217] : memref<3216xi32, #tpu.memory_space<vmem>> -> memref<32xi32, #tpu.memory_space<vmem>>
      %dma_wait3A_219 = arith.constant 0 : i32
      %dma_wait3A_220 = arith.constant 0 : i32
      %dma_wait3A_221 = tpu.memref_slice %arg6[%dma_wait3A_219, %dma_wait3A_220] : memref<100000x512xf32, #tpu.memory_space<hbm>> -> memref<100000x512xf32, #tpu.memory_space<hbm>>
      tpu.wait_indirect_dma semaphore(%arg21 : memref<!tpu.dma_semaphore, #tpu.memory_space<semaphore_mem>>) src(%arg15 : memref<32x512xf32, #tpu.memory_space<vmem>>) dst(%dma_wait3A_221 : memref<100000x512xf32, #tpu.memory_space<hbm>>)
      %while3A_222 = arith.constant 0 : i32
      scf.yield %while3A_222 : i32
    }
    %while3A_201 = arith.constant 1 : i32
    %while3A_202 = scf.for %while3A_215 = %while3A_198 to %while3A_194 step %while3A_201 iter_args(%while3A_216 = %while3A_200) -> (i32)  : i32 {
      %dma_wait3A_217 = arith.constant 0 : i32
      %dma_wait3A_218 = tpu.memref_slice %arg10[%dma_wait3A_217] : memref<3216xi32, #tpu.memory_space<vmem>> -> memref<32xi32, #tpu.memory_space<vmem>>
      %dma_wait3A_219 = arith.constant 0 : i32
      %dma_wait3A_220 = arith.constant 0 : i32
      %dma_wait3A_221 = tpu.memref_slice %arg6[%dma_wait3A_219, %dma_wait3A_220] : memref<100000x512xf32, #tpu.memory_space<hbm>> -> memref<100000x512xf32, #tpu.memory_space<hbm>>
      tpu.wait_indirect_dma semaphore(%arg21 : memref<!tpu.dma_semaphore, #tpu.memory_space<semaphore_mem>>) src(%arg15 : memref<32x512xf32, #tpu.memory_space<vmem>>) dst(%dma_wait3A_221 : memref<100000x512xf32, #tpu.memory_space<hbm>>)
      %while3A_222 = arith.constant 0 : i32
      scf.yield %while3A_222 : i32
    }
    %while3A_203 = arith.constant 0 : i32
    %while3A_204 = arith.constant 0 : i32
    %while3A_205 = arith.subi %select_n3A_163, %while3A_203 : i32
    %while3A_206 = arith.addi %while3A_203, %while3A_205 : i32
    %while3A_207 = arith.constant 1 : i32
    %while3A_208 = arith.divsi %while3A_205, %while3A_207 : i32
    %while3A_209 = arith.muli %while3A_208, %while3A_207 : i32
    %while3A_210 = arith.addi %while3A_203, %while3A_209 : i32
    %while3A_211 = arith.constant 1 : i32
    %while3A_212 = scf.for %while3A_215 = %while3A_203 to %while3A_210 step %while3A_211 iter_args(%while3A_216 = %while3A_204) -> (i32)  : i32 {
      %dma_wait3A_217 = arith.constant 0 : i32
      %dma_wait3A_218 = tpu.memref_slice %arg10[%dma_wait3A_217] : memref<3216xi32, #tpu.memory_space<vmem>> -> memref<32xi32, #tpu.memory_space<vmem>>
      %dma_wait3A_219 = arith.constant 0 : i32
      %dma_wait3A_220 = arith.constant 0 : i32
      %dma_wait3A_221 = tpu.memref_slice %arg6[%dma_wait3A_219, %dma_wait3A_220] : memref<100000x512xf32, #tpu.memory_space<hbm>> -> memref<100000x512xf32, #tpu.memory_space<hbm>>
      tpu.wait_indirect_dma semaphore(%arg19 : memref<!tpu.dma_semaphore, #tpu.memory_space<semaphore_mem>>) src(%arg15 : memref<32x512xf32, #tpu.memory_space<vmem>>) dst(%dma_wait3A_221 : memref<100000x512xf32, #tpu.memory_space<hbm>>)
      %while3A_222 = arith.constant 0 : i32
      scf.yield %while3A_222 : i32
    }
    %while3A_213 = arith.constant 1 : i32
    %while3A_214 = scf.for %while3A_215 = %while3A_210 to %while3A_206 step %while3A_213 iter_args(%while3A_216 = %while3A_212) -> (i32)  : i32 {
      %dma_wait3A_217 = arith.constant 0 : i32
      %dma_wait3A_218 = tpu.memref_slice %arg10[%dma_wait3A_217] : memref<3216xi32, #tpu.memory_space<vmem>> -> memref<32xi32, #tpu.memory_space<vmem>>
      %dma_wait3A_219 = arith.constant 0 : i32
      %dma_wait3A_220 = arith.constant 0 : i32
      %dma_wait3A_221 = tpu.memref_slice %arg6[%dma_wait3A_219, %dma_wait3A_220] : memref<100000x512xf32, #tpu.memory_space<hbm>> -> memref<100000x512xf32, #tpu.memory_space<hbm>>
      tpu.wait_indirect_dma semaphore(%arg19 : memref<!tpu.dma_semaphore, #tpu.memory_space<semaphore_mem>>) src(%arg15 : memref<32x512xf32, #tpu.memory_space<vmem>>) dst(%dma_wait3A_221 : memref<100000x512xf32, #tpu.memory_space<hbm>>)
      %while3A_222 = arith.constant 0 : i32
      scf.yield %while3A_222 : i32
    }
    return
  }
}

</mosaic_0001>

<sc_bundles>
// kernel: kernel.3.cloned.1.call-start
scs
__scs_entry_jumppad:
0x0: {  	(pc) =	sbr.rel $0x88, $3  }
0x1: {  	(tag) =	ssettag $0x0;
	lr =	simm.s32 $0x1  }
0x2: {  	[smem:$0x3F9F] =	sst lr;
	_ =	strace $0xD0000000  }
0x3: {  	_ = 	snop  }
0x4: {  	_ = 	snop  }
0x5: {  	_ = 	snop  }
0x6: {  	_ = 	snop  }
0x7: {  	_ = 	snop  }
__scs_overlays_trampoline_lowered:
0x8: {  	[smem:$0x3FAE] =	sst s0  }
0x9: {  	[smem:$0x3FAF] =	sst s1  }
0xa: {  	[smem:$0x3FB0] =	sst s2  }
0xb: {  	[smem:$0x3FB1] =	sst s3  }
0xc: {  	[smem:$0x3FB2] =	sst s4  }
0xd: {  	[smem:$0x3FB3] =	sst s5  }
0xe: {  	[smem:$0x3FB4] =	sst s6  }
0xf: {  	[smem:$0x3FB5] =	sst s7  }
0x10: {  	[smem:$0x3FB6] =	sst s8  }
0x11: {  	[smem:$0x3FB7] =	sst s9;
	s0 =	simm.s32 @!p0 $0x0  }
0x12: {  	s1 =	sld [smem:$0x3F9D];
	s0 =	simm.s32 @p0 $0x1  }
0x13: {  	[smem:$0x3FB8] =	sst s0;
	s0 =	simm.s32 @!p1 $0x0  }
0x14: {  	s2 =	sld [smem:$0x3F9C];
	s0 =	simm.s32 @p1 $0x1  }
0x15: {  	[smem:$0x3FB9] =	sst s0;
	s0 =	simm.s32 @!p2 $0x0  }
0x16: {  	s3 =	sld [smem:$0x3FDB];
	s0 =	simm.s32 @p2 $0x1  }
0x17: {  	s4 =	simm.s32 $0x1BF5;
	[smem:$0x3FBB] =	sst s0  }
0x18: {  	s0 =	sld [smem:$0x3F9E];
	_ =	swait.ge [sflag:s4], $0x0  }
0x19: {  	s7 =	sld [smem:$0x3F9F]  }
0x1a: {  	s8 =	sadd.s32 $0xFFFFE003, lr  }
0x1b: {  	s9 =	sadd.s32 $0xFFFFFEF7, lr;
	s5 =	simm.s32 $0xFFFFFFFF;
	p2 =	slt.u32 s8, $0xFFFFF086  }
0x1c: {  	p1 =	slt.u32 s9, $0xF7A;
	s5 =	simm.s32 @!p2 $0x0  }
0x1d: {  	s5 =	simm.s32 @p1 $0x1;
	p0 =	seq.s32 s7, s2  }
0x1e: {  	s7 =	smul.u32 @!p0 $0xF7A, s2;
	p2 =	seq.s32 @!p0 s5, $0x0  }
0x1f: {  	s9 =	smul.u32 $0xF7A, s1;
	s8 =	simm.s32 @!p0 $0x1BF5;
	p2 =	por !p2, p0  }
0x20: {  	[sflag:s8] =	ssyncset.s32 @!p0 $0xFFFFF086;
	s6 =	sadd.s32 @!p0 s3, s7;
	s7 =	simm.s32 @!p0 $0x108  }
0x21: {  	s3 =	sadd.s32 s3, s9;
	s6 =	sadd.s32 @!p0 $0x88, s6;
	s7 =	simm.s32 @p2 $0x1082  }
0x22: {  	[simem:s7], [sflag:s8] =	dma.local @!p0 [hbm:s6], $0xF7A  }
0x23: {  	s9 =	sor.u32 $0xD0000000, s2;
	s6 =	simm.s32 $0x108;
	_ =	swait.ge @!p0 [sflag:s8], $0x0  }
0x24: {  	s3 =	sadd.s32 $0x88, s3;
	s6 =	simm.s32 @!p1 $0x1082;
	[sflag:s4] =	ssyncset.s32 $0xFFFFF086  }
0x25: {  	[simem:s6], [sflag:s4] =	dma.local [hbm:s3], $0xF7A  }
0x26: {  	[smem:$0x3F9F] =	sst s1;
	(tag) =	ssettag s2;
	_ =	strace s9  }
0x27: {  	s1 =	sld [smem:$0x3FAF]  }
0x28: {  	s2 =	sld [smem:$0x3FB0]  }
0x29: {  	s4 =	sld [smem:$0x3FB2]  }
0x2a: {  	p0 =	seq.s32 s5, $0x0;
	s5 =	sld [smem:$0x3FB3]  }
0x2b: {  	s6 =	sld [smem:$0x3FB4]  }
0x2c: {  	s7 =	sld [smem:$0x3FB5]  }
0x2d: {  	s3 =	simm.s32 $0x108;
	s8 =	sld [smem:$0x3FB6]  }
0x2e: {  	s3 =	simm.s32 @!p0 $0x1082;
	s9 =	sld [smem:$0x3FB7]  }
0x2f: {  	lr =	sadd.s32 s0, s3;
	s0 =	sld [smem:$0x3FAE]  }
0x30: {  	s3 =	sld [smem:$0x3FB1]  }
0x31: {  	[smem:$0x3FBA] =	sst s10  }
0x32: {  	s10 =	sld [smem:$0x3FB8];
	_ =	sdelay $0x3  }
0x33: {  	p0 =	seq.s32 s10, $0x1;
	s10 =	sld [smem:$0x3FBA];
	_ =	sdelay $0x3  }
0x34: {  	[smem:$0x3FBA] =	sst s10  }
0x35: {  	s10 =	sld [smem:$0x3FB9];
	_ =	sdelay $0x3  }
0x36: {  	p1 =	seq.s32 s10, $0x1;
	s10 =	sld [smem:$0x3FBA];
	_ =	sdelay $0x3  }
0x37: {  	[smem:$0x3FBA] =	sst s10  }
0x38: {  	s10 =	sld [smem:$0x3FBB]  }
0x39: {  	_ = 	snop;
	(pc) =	sbr.ind lr, $3  }
0x3a: {  	_ = 	snop  }
0x3b: {  	_ = 	snop  }
0x3c: {  	p2 =	seq.s32 s10, $0x1;
	s10 =	sld [smem:$0x3FBA]  }
0x3d: {  	_ =	shalt  }
0x3e: {  	_ =	shalt  }
0x3f: {  	_ =	shalt  }
0x40: {  	_ =	shalt  }
0x41: {  	_ =	shalt  }
0x42: {  	_ =	shalt  }
0x43: {  	_ =	shalt  }
0x44: {  	_ =	shalt  }
0x45: {  	_ =	shalt  }
0x46: {  	_ =	shalt  }
0x47: {  	_ =	shalt  }
0x48: {  	_ =	shalt  }
0x49: {  	_ =	shalt  }
0x4a: {  	_ =	shalt  }
0x4b: {  	_ =	shalt  }
0x4c: {  	_ =	shalt  }
0x4d: {  	_ =	shalt  }
0x4e: {  	_ =	shalt  }
0x4f: {  	_ =	shalt  }
0x50: {  	_ =	shalt  }
0x51: {  	_ =	shalt  }
0x52: {  	_ =	shalt  }
0x53: {  	_ =	shalt  }
0x54: {  	_ =	shalt  }
0x55: {  	_ =	shalt  }
0x56: {  	_ =	shalt  }
0x57: {  	_ =	shalt  }
0x58: {  	_ =	shalt  }
0x59: {  	_ =	shalt  }
0x5a: {  	_ =	shalt  }
0x5b: {  	_ =	shalt  }
0x5c: {  	_ =	shalt  }
0x5d: {  	_ =	shalt  }
0x5e: {  	_ =	shalt  }
0x5f: {  	_ =	shalt  }
0x60: {  	_ =	shalt  }
0x61: {  	_ =	shalt  }
0x62: {  	_ =	shalt  }
0x63: {  	_ =	shalt  }
0x64: {  	_ =	shalt  }
0x65: {  	_ =	shalt  }
0x66: {  	_ =	shalt  }
0x67: {  	_ =	shalt  }
0x68: {  	_ =	shalt  }
0x69: {  	_ =	shalt  }
0x6a: {  	_ =	shalt  }
0x6b: {  	_ =	shalt  }
0x6c: {  	_ =	shalt  }
0x6d: {  	_ =	shalt  }
0x6e: {  	_ =	shalt  }
0x6f: {  	_ =	shalt  }
0x70: {  	_ =	shalt  }
0x71: {  	_ =	shalt  }
0x72: {  	_ =	shalt  }
0x73: {  	_ =	shalt  }
0x74: {  	_ =	shalt  }
0x75: {  	_ =	shalt  }
0x76: {  	_ =	shalt  }
0x77: {  	_ =	shalt  }
0x78: {  	_ =	shalt  }
0x79: {  	_ =	shalt  }
0x7a: {  	_ =	shalt  }
0x7b: {  	_ =	shalt  }
0x7c: {  	_ =	shalt  }
0x7d: {  	_ =	shalt  }
0x7e: {  	_ =	shalt  }
0x7f: {  	_ =	shalt  }
0x80: {  	_ =	shalt  }
0x81: {  	_ =	shalt  }
0x82: {  	_ =	shalt  }
0x83: {  	_ =	shalt  }
0x84: {  	_ =	shalt  }
0x85: {  	_ =	shalt  }
0x86: {  	_ =	shalt  }
0x87: {  	_ =	shalt  }
.Lfunc_end0:
.L_simem_size_0:
called_computation_lowered:
.L_overlay_start_0:
0x88: {  	s2 =	sld [smem:$0x3FD9]  }
0x89: {  	s3 =	sld [smem:$0x3FFE];
	_ =	sdelay $0x1  }
0x8a: {  	s1 =	srdreg.scid  }
0x8b: {  	s0 =	sand.u32 $0x1, s1  }
0x8c: {  	s17 =	sshll.u32 s0, $0xA;
	s2 =	sadd.s32 s3, s2  }
0x8d: {  	s2 =	sadd.s32 s2, s17  }
0x8e: {  	[smem:$0x3FC6] =	sst s2  }
0x8f: {  	_ = 	snop  }
0x90: {  	s2 =	sld [smem:$0x3FC9]  }
0x91: {  	s18 =	sld [smem:$0x3FC8]  }
0x92: {  	s4 =	sld [smem:$0x3FD0];
	(tm) =	ssettm $0x1  }
0x93: {  	s5 =	sld [smem:$0x3FFB];
	_ =	sdelay $0x3  }
0x94: {  	_ =	strace s5  }
0x95: {  	s5 =	sld [smem:$0x3FFC];
	_ =	sdelay $0x3  }
0x96: {  	_ =	strace s5  }
0x97: {  	s5 =	sld [smem:$0x3FFD];
	_ =	sdelay $0x3  }
0x98: {  	_ =	strace s5  }
0x99: {  	_ =	strace $0x8FFFFFFF  }
0x9a: {  	s19 =	sld [smem:$0x3FDB];
	_ =	sdelay $0x1  }
0x9b: {  	s6 =	simm.s32 $_scs_section_size  }
0x9c: {  	s7 =	simm.s32 $_size__tile_overlayer_lowered;
	s8 =	simm.s32 $_tile_overlayer_lowered  }
0x9d: {  	s22 =	simm.s32 $0x1BFF;
	s21 =	sshll.u32 s8, $0x1;
	s5 =	sadd.s32 s6, s19  }
0x9e: {  	s9 =	simm.s32 $0x0;
	s20 =	sshll.u32 s7, $0x1;
	s7 =	sadd.s32 s21, s5  }
0x9f: {  	[timem:s9], [sflag:s22] =	dma.local [hbm:s7], s20  }
0xa0: {  	_ =	swait.ge [sflag:s22], s20  }
0xa1: {  	s6 =	ssub.s32 $0x0, s20;
	[sflag:s22] =	ssyncset.done $0x0  }
0xa2: {  	[sflag:s22] =	ssyncadd.s32 s6;
	_ =	sdelay $0x1  }
0xa3: {  	s23 =	simm.s32 $0x1B8B  }
0xa4: {  	_ =	swait.ge [sflag:s23], $0x1  }
0xa5: {  	[sflag:s23] =	ssyncset.done $0x0  }
0xa6: {  	s25 =	simm.s32 $0x1B8E;
	s24 =	sld [smem:$0x3FFE];
	[sflag:s23] =	ssyncadd.s32 $0xFFFFFFFF  }
0xa7: {  	s26 =	simm.s32 $execute0_lowered;
	[smem:$0x3FD2] =	sst s25  }
0xa8: {  	s7 =	sshll.u32 s26, $0x1;
	_ =	strace $0x80000046;
	[dreg:$0x1] =	wrdreg $0xFFFFFFFF  }
0xa9: {  	s28 =	simm.s32 $_size_execute0_lowered;
	s5 =	sadd.s32 s5, s7;
	[dreg:$0x0] =	wrdreg $0x0  }
0xaa: {  	s7 =	sshll.u32 s28, $0x1;
	[dreg:$0x2] =	wrdreg s5  }
0xab: {  	[dreg:$0x3] =	wrdreg s7  }
0xac: {  	[dreg:$0x4] =	wrdreg $0xC0  }
0xad: {  	_ =	task [dreg:s9], $0x5FFFF  }
0xae: {  	[dreg:$0x1] =	wrdreg $0xFFFFFFFF  }
0xaf: {  	[dreg:$0x0] =	wrdreg $0x60  }
0xb0: {  	[dreg:$0x2] =	wrdreg s2  }
0xb1: {  	[dreg:$0x3] =	wrdreg s18  }
0xb2: {  	[dreg:$0x4] =	wrdreg s24  }
0xb3: {  	[dreg:$0x5] =	wrdreg s4  }
0xb4: {  	[dreg:$0x6] =	wrdreg $0x9  }
0xb5: {  	_ =	task.clear_ibuf [dreg:s9], $0x7FFFF;
	_ =	strace $0x90000046  }
0xb6: {  	s29 =	simm.s32 $0x9;
	_ =	strace $0x80000048  }
0xb7: {  	_ =	swait.ge [sflag:s29], $0x1  }
0xb8: {  	[sflag:s29] =	ssyncadd.s32 $0xFFFFFFFF  }
0xb9: {  	_ =	strace $0x90000048  }
0xba: {  	_ =	sfence  }
0xbb: {  	s30 =	sld [smem:$0x0];
	_ =	sdelay $0x2  }
0xbc: {  	s31 =	sshll.u32 s1, $0xD;
	s1 =	sshrl.u32 s1, $0x2  }
0xbd: {  	s3 =	sand.u32 $0x4000, s31;
	s1 =	sadd.s32 s1, s30  }
0xbe: {  	s0 =	sor.u32 s3, s0;
	s1 =	sshll.u32 s1, $0x11  }
0xbf: {  	s0 =	sor.u32 s1, s0  }
0xc0: {  	s0 =	sadd.s32 $0x8F2B, s0  }
0xc1: {  	[sflag:s0] =	ssyncadd.remote.s32 $0x1  }
0xc2: {  	_ =	sfence.sel $0xFFFF  }
0xc3: {  	[dreg:$0x0] =	wrdreg $0xFFFFFFFF;
	(pc) =	sbr.abs _section_cstart, $3  }
0xc4: {  	[dreg:$0x1] =	wrdreg $0xFFFFFFFF  }
0xc5: {  	_ =	task.clear_ibuf [dreg:s9], $0x2FFFF;
	_ =	strace $0x9FFFFFFF  }
0xc6: {  	(tm) =	ssettm $0x7FFFFFFF  }
0xc7: {  	_ =	shalt  }
tec
execute0_lowered:
.L_overlay_start_1:
0x0: {  	(tag) =	ssettag $0x1  }
0x1: {  	s1 =	rddreg [dreg:$0x0]  }
0x2: {  	s2 =	rddreg [dreg:$0x1]  }
0x3: {  	s0 =	rddreg [dreg:$0x2]  }
0x4: {  	s3 =	rddreg [dreg:$0x3];
	s5 =	simm.s32 $0x0;
	s4 =	srdreg.scid  }
0x5: {  	s12 =	stileid.u32;
	s10 =	simm.s32 $0xC38;
	s17 =	simm.s32 $0x5  }
0x6: {  	s19 =	simm.s32 $0x800;
	s20 =	simm.s32 $0x4;
	s21 =	simm.s32 $0x2980  }
0x7: {  	s15 =	simm.s32 $0x3;
	s18 =	simm.s32 $0x13E80;
	s13 =	simm.s32 $0x16E80  }
0x8: {  	[smem:$0x7FF] =	sst s5;
	s6 =	sadd.s32 $0x600, s0;
	s4 =	sand.u32 $0x1, s4  }
0x9: {  	s22 =	sshll.u32 s12, $0x1;
	s0 =	sadd.s32 $0x400, s0;
	p0 =	slt.u32 s12, $0xA  }
0xa: {  	s28 =	sadd.s32 $0xFA, s2;
	_ =	strace $0x80000047;
	[dreg:$0x5] =	wrdreg s6  }
0xb: {  	s12 =	smul.u32 $0xC34, s12;
	[dreg:$0x6] =	wrdreg s0;
	s23 =	ssub.s32 $0x2, s4  }
0xc: {  	s6 =	sor.u32 s4, s22;
	s10 =	simm.s32 @!p0 $0xC30;
	s4 =	smul.u32 $0x61A, s4  }
0xd: {  	[dreg:$0x7] =	wrdreg s28;
	s22 =	simm.s32 $0x1D00;
	s8 =	smul.u32 $0xC30, s6  }
0xe: {  	s7 =	sshrl.u32 s23, $0x1;
	s9 =	smin.u32 s6, $0x14;
	s25 =	smul.u32 $0x61A, s6  }
0xf: {  	s6 =	smin.u32 s6, $0x10;
	s0 =	ssub.s32 s23, s7;
	s24 =	sshll.u32 s9, $0x3  }
0x10: {  	s23 =	simm.s32 $0x1;
	s9 =	simm.s32 $0x15E80;
	s7 =	sadd.s32 s8, s24  }
0x11: {  	s26 =	sadd.s32 s6, s25;
	s6 =	sadd.s32 s12, s6;
	s12 =	sadd.s32 $0x100, s3  }
0x12: {  	s0 =	smax.u32 s0, $0x1;
	s24 =	simm.s32 $0x7680;
	s25 =	simm.s32 $0xB680  }
0x13: {  	s29 =	sadd.s32 s10, s7;
	s11 =	sand.u32 $0x1FFF0, s26;
	s8 =	sshll.u32 s26, $0x6  }
0x14: {  	s4 =	sadd.s32 s4, s6;
	[dreg:$0xb] =	wrdreg s0;
	s26 =	simm.s32 $0x2  }
0x15: {  	v2 =	vmov s10;
	v0 =	vmov s7;
	s7 =	simm.s32 $0x14E80;
	s10 =	simm.s32 $0x0;
	s11 =	smin.u32 s11, $0xBCD0  }
0x16: {  	s8 =	sand.u32 $0x7FFE00, s8;
	s30 =	sand.u32 $0x3FFF0, s4;
	s6 =	sshll.u32 s4, $0x9  }
0x17: {  	s4 =	sand.u32 $0x3FFF8, s4;
	s11 =	sshrl.u32 s11, $0x3;
	s8 =	sadd.s32 s1, s8  }
.Ltmp0:
0x18: {  	s11 =	sadd.s32 s2, s11;
	[dreg:$0x9] =	wrdreg s8;
	(pc) =	sbr.rel .LBB2_1-.Ltmp0, $4  }
0x19: {  	v3 =	vimm.s32 $0x0;
	v4 =	vimm.s32 $0x1;
	s0 =	smin.u32 s30, $0xBCD0;
	s8 =	sadd.s32 $0x800, s8;
	[dreg:$0x8] =	wrdreg s11  }
0x1a: {  	v5 =	vlaneseq.u32;
	v6 =	vimm.s32 $0xF;
	vm0 =	vmmov $0xffff;
	s6 =	sand.u32 $0x7FFF000, s6;
	s0 =	ssub.s32 s4, s0;
	[dreg:$0xa] =	wrdreg s8  }
0x1b: {  	v7 =	vor.u32 $0x10, v5;
	v8 =	vand.u32 $0x7, v5;
	v9 =	vshrl.u32 v5, $0x3;
	s31 =	sadd.s32 $0x8000, s6;
	s6 =	simm.s32 $0x14680;
	[dreg:$0xc] =	wrdreg s0  }
0x1c: {  	v9 =	vmul.u32 $0x8, v9;
	v10 =	vor.u32 $0x8, v8;
	v1 =	vmov s29;
	[dreg:$0xd] =	wrdreg s31;
	s8 =	simm.s32 $0x15680;
	s11 =	simm.s32 $0x16680  }
.LBB2_35:
0x1d: {  	[sflag:s23] =	ssyncadd.s32 $0xFFFFC000  }
.LBB2_36:
0x1e: {  	s10 =	sadd.s32 $0x1, s10;
	s0 =	rddreg [dreg:$0xb]  }
0x1f: {  	p0 =	sne.s32 s10, s0  }
.Ltmp1:
0x20: {  	_ = 	snop;
	(pc) =	sbr.rel @!p0 .LBB2_37-.Ltmp1, $1  }
0x21: {  	_ =	sdelay $0x3  }
.LBB2_1:
0x22: {  	s0 =	rddreg [dreg:$0x5];
	s4 =	simm.s32 $0x3680  }
0x23: {  	[tilespmem:s4], [sflag:$0x5] =	stream.linear.gather [hbm4b:s0+s5], $0x4000, $0x38;
	[tilespmem:$0x17680] =	vst v63  }
0x24: {  	_ =	swait.ge [sflag:s17], $0x4000  }
0x25: {  	[sflag:s17] =	ssyncset.done $0x0  }
0x26: {  	s31 =	simm.s32 $0x3600;
	s30 =	rddreg [dreg:$0x6];
	[sflag:s17] =	ssyncadd.s32 $0xFFFFC000  }
0x27: {  	[tilespmem:s31], [sflag:$0x5] =	stream.linear.gather [hbm4b:s30+s5], $0x80, $0x38;
	[tilespmem:$0x17680] =	vst v63  }
0x28: {  	_ =	swait.ge [sflag:s17], $0x80  }
0x29: {  	[sflag:s17] =	ssyncset.done $0x0  }
0x2a: {  	s0 =	simm.s32 $0x40;
	s4 =	simm.s32 $0x0;
	[sflag:s17] =	ssyncadd.s32 $0xFFFFFF80  }
.LBB2_2:
0x2b: {  	p0 =	sne.s32 s0, $0x30C0;
	[tilespmem:s4+$0x2980] =	vst v3;
	s4 =	smov.u32 s0;
	s0 =	sadd.s32 $0x40, s0  }
.Ltmp2:
0x2c: {  	(pc) =	sbr.rel @p0 .LBB2_2-.Ltmp2, $2  }
0x2d: {  	_ =	sdelay $0x2  }
0x2e: {  	s4 =	sshra.s32 s4, $0x2  }
0x2f: {  	[tilespmem:s4+$0x2980] =	vst v3;
	s0 =	simm.s32 $0x0  }
0x30: {  	[tilespmem:s0], [sflag:$0x4] =	stream.linear.gather [hbm4b:s2+s0], $0x7D0, $0x38;
	[tilespmem:$0x17680] =	vst v63  }
0x31: {  	s31 =	rddreg [dreg:$0x7]  }
0x32: {  	[tilespmem:s19], [sflag:$0x4] =	stream.linear.gather [hbm4b:s31+s0], $0x7D0, $0x38;
	[tilespmem:$0x17680] =	vst v63  }
.LBB2_4:
0x33: {  	_ =	swait.ge [sflag:s20], $0x7D0  }
0x34: {  	[sflag:s20] =	ssyncset.done $0x0  }
0x35: {  	s4 =	simm.s32 $0x0;
	s14 =	simm.s32 $0x40;
	[sflag:s20] =	ssyncadd.s32 $0xFFFFF830  }
.LBB2_5:
0x36: {  	p0 =	sne.s32 s14, $0x1F00;
	v11 =	vld [tilespmem:s4+$0x0];
	_ =	sdelay $0x4  }
0x37: {  	vm1 =	vge.s32 v11, v0;
	vm2 =	vlt.s32 v11, v1  }
0x38: {  	vm1 =	vmand vm1, vm2  }
0x39: {  	v11 =	vsub.s32 v11, v0  }
.Ltmp3:
0x3a: {  	(pc) =	sbr.rel @p0 .LBB2_5-.Ltmp3, $2  }
0x3b: {  	_ =	sdelay $0x2  }
0x3c: {  	s4 =	sshra.s32 s14, $0x2;
	s14 =	sadd.s32 $0x40, s14;
	[tilespmem:v11+s21+$0x0] =	vst.idx.msk vm1, v4  }
0x3d: {  	v11 =	vld [tilespmem:s4+$0x0];
	_ =	sdelay $0x4  }
0x3e: {  	vm1 =	vge.s32 v11, v0;
	vm2 =	vlt.s32 v11, v1  }
0x3f: {  	vm1 =	vmand vm1, vm2  }
0x40: {  	v11 =	vsub.s32 v11, v0  }
0x41: {  	s31 =	smul.u32 $0xFA0, s0;
	_ =	sdelay $0x1  }
0x42: {  	s4 =	sshrl.u32 s31, $0x3  }
0x43: {  	s14 =	sadd.s32 s2, s4  }
0x44: {  	s28 =	simm.s32 $0x0;
	s4 =	sadd.s32 $0x1F4, s14;
	[tilespmem:v11+s21+$0x0] =	vst.idx.msk vm1, v4  }
0x45: {  	[tilespmem:s28], [sflag:$0x4] =	stream.linear.gather [hbm4b:s4+s28], $0x7D0, $0x38;
	[tilespmem:$0x17680] =	vst v63  }
0x46: {  	_ =	swait.ge [sflag:s20], $0x7D0  }
0x47: {  	[sflag:s20] =	ssyncset.done $0x0  }
0x48: {  	s4 =	simm.s32 $0x0;
	s28 =	simm.s32 $0x40;
	[sflag:s20] =	ssyncadd.s32 $0xFFFFF830  }
.LBB2_7:
0x49: {  	p0 =	sne.s32 s28, $0x1F00;
	v11 =	vld [tilespmem:s4+$0x800];
	_ =	sdelay $0x4  }
0x4a: {  	vm1 =	vge.s32 v11, v0;
	vm2 =	vlt.s32 v11, v1  }
0x4b: {  	vm1 =	vmand vm1, vm2  }
0x4c: {  	v11 =	vsub.s32 v11, v0  }
.Ltmp4:
0x4d: {  	(pc) =	sbr.rel @p0 .LBB2_7-.Ltmp4, $2  }
0x4e: {  	_ =	sdelay $0x2  }
0x4f: {  	s4 =	sshra.s32 s28, $0x2;
	s28 =	sadd.s32 $0x40, s28;
	[tilespmem:v11+s21+$0x0] =	vst.idx.msk vm1, v4  }
0x50: {  	v11 =	vld [tilespmem:s4+$0x800];
	_ =	sdelay $0x4  }
0x51: {  	vm1 =	vge.s32 v11, v0;
	vm2 =	vlt.s32 v11, v1  }
0x52: {  	vm1 =	vmand vm1, vm2  }
0x53: {  	p0 =	seq.s32 s0, $0xB;
	v11 =	vsub.s32 v11, v0  }
.Ltmp5:
0x54: {  	_ = 	snop;
	(pc) =	sbr.rel @p0 .LBB2_10-.Ltmp5, $2  }
0x55: {  	_ =	sdelay $0x2  }
0x56: {  	[tilespmem:v11+s21+$0x0] =	vst.idx.msk vm1, v4  }
.Ltmp6:
0x57: {  	(pc) =	sbr.rel .LBB2_4-.Ltmp6, $3  }
0x58: {  	_ =	sdelay $0x1  }
0x59: {  	s4 =	sadd.s32 $0x2EE, s14;
	s0 =	sadd.s32 $0x1, s0  }
0x5a: {  	[tilespmem:s19], [sflag:$0x4] =	stream.linear.gather [hbm4b:s4+s5], $0x7D0, $0x38;
	[tilespmem:$0x17680] =	vst v63  }
.LBB2_10:
0x5b: {  	_ =	swait.ge [sflag:s20], $0x7D0  }
0x5c: {  	[sflag:s20] =	ssyncset.done $0x0  }
0x5d: {  	s4 =	simm.s32 $0x0;
	s0 =	simm.s32 $0x40;
	[sflag:s20] =	ssyncadd.s32 $0xFFFFF830  }
.LBB2_11:
0x5e: {  	p0 =	sne.s32 s0, $0x1F00;
	v11 =	vld [tilespmem:s4+$0x0];
	_ =	sdelay $0x4  }
0x5f: {  	vm1 =	vge.s32 v11, v0;
	vm2 =	vlt.s32 v11, v1  }
0x60: {  	vm1 =	vmand vm1, vm2  }
0x61: {  	v11 =	vsub.s32 v11, v0  }
.Ltmp7:
0x62: {  	(pc) =	sbr.rel @p0 .LBB2_11-.Ltmp7, $2  }
0x63: {  	_ =	sdelay $0x2  }
0x64: {  	s4 =	sshra.s32 s0, $0x2;
	s0 =	sadd.s32 $0x40, s0;
	[tilespmem:v11+s21+$0x0] =	vst.idx.msk vm1, v4  }
0x65: {  	v11 =	vld [tilespmem:s4+$0x0];
	_ =	sdelay $0x4  }
0x66: {  	vm1 =	vge.s32 v11, v0;
	vm2 =	vlt.s32 v11, v1  }
0x67: {  	vm1 =	vmand vm1, vm2  }
0x68: {  	v11 =	vsub.s32 v11, v0;
	_ =	sdelay $0x3  }
0x69: {  	s14 =	rddreg [dreg:$0xc]  }
0x6a: {  	s0 =	simm.s32 $0x0;
	s31 =	rddreg [dreg:$0x8];
	[tilespmem:v11+s21+$0x0] =	vst.idx.msk vm1, v4;
	v11 =	vadd.s32 s14, v5  }
0x6b: {  	[tilespmem:s0], [sflag:$0x5] =	stream.linear.gather [hbm4b:s31+s0], $0x680, $0x38;
	[tilespmem:$0x17680] =	vst v63  }
0x6c: {  	_ =	swait.ge [sflag:s17], $0x680  }
0x6d: {  	[sflag:s17] =	ssyncset.done $0x0  }
0x6e: {  	[sflag:s17] =	ssyncadd.s32 $0xFFFFF980  }
0x6f: {  	s28 =	sadd.s32 $0x10, s14;
	v11 =	vld.idx.msk [tilespmem:v11+s0+$0x0], $0xffff  }
0x70: {  	s29 =	simm.s32 $0x80;
	s30 =	simm.s32 $0x0;
	v12 =	vadd.s32 s28, v5;
	s14 =	simm.s32 $0x40  }
.LBB2_13:
0x71: {  	p0 =	sne.s32 s29, $0x1840;
	_ =	sdelay $0x1  }
.Ltmp8:
0x72: {  	s4 =	sshra.s32 s30, $0x2;
	s30 =	smov.u32 s14;
	(pc) =	sbr.rel @p0 .LBB2_13-.Ltmp8, $4  }
0x73: {  	s14 =	smov.u32 s29;
	[tilespmem:s4+$0x1000] =	vst v11  }
0x74: {  	v11 =	vld.idx.msk [tilespmem:v12+s0+$0x0], $0xffff  }
0x75: {  	s28 =	sadd.s32 $0x10, s28  }
0x76: {  	s29 =	sadd.s32 $0x40, s29;
	v12 =	vadd.s32 s28, v5  }
0x77: {  	_ =	sdelay $0x1  }
0x78: {  	s4 =	sshra.s32 s30, $0x2  }
0x79: {  	[tilespmem:s4+$0x1000] =	vst v11  }
0x7a: {  	v11 =	vld.idx.msk [tilespmem:v12+s0+$0x0], $0xffff;
	_ =	sdelay $0x3  }
0x7b: {  	s31 =	sshra.s32 s14, $0x2  }
0x7c: {  	s14 =	simm.s32 $0x2980;
	[tilespmem:s31+$0x1000] =	vst v11  }
0x7d: {  	s28 =	simm.s32 $0x10;
	v12 =	vimm.s32 $0x0;
	v11 =	vimm.s32 $0xFFFFFFFF;
	v13 =	vld [tilespmem:s14+$0x0]  }
.LBB2_15:
0x7e: {  	p0 =	sne.s32 s28, $0xC30;
	_ =	sdelay $0x2  }
0x7f: {  	v14 =	vor.u32 s0, v5;
	s0 =	smov.u32 s28  }
0x80: {  	vm2 =	vlt.u32 v14, v2;
	vm1 =	veq.s32 v13, $0x0;
	v13 =	vadd.s32 v0, v14  }
0x81: {  	vm1 =	vmand vm2, vm1;
	v14 =	vor.u32 $0x80000000, v13  }
0x82: {  	v15 =	vsel vm1, $0x1, v3;
	v14 =	vnsel vm1, $0x7FFFFFFF, v14  }
0x83: {  	(xrf0) =	vadd.scan.msk.s32 $0xffff, v15  }
0x84: {  	(xrf0) =	vmax.scan.msk.u32 $0xffff, v14;
	_ =	sdelay $0x4  }
0x85: {  	v14, _, _ =	vpop (xrf0)  }
0x86: {  	v15 =	vadd.s32 v14, v12;
	v14 =	vperm.xlane v14, v6;
	v16, _, _ =	vpop (xrf0)  }
0x87: {  	v15 =	vadd.s32 $0xFFFFFFFF, v15;
	v16 =	vxor.u32 $0x80000000, v16  }
0x88: {  	v16 =	vperm.xlane v16, v6;
	v12 =	vadd.s32 v12, v14  }
.Ltmp9:
0x89: {  	(pc) =	sbr.rel @p0 .LBB2_15-.Ltmp9, $4  }
0x8a: {  	vm2 =	vgt.s32 v11, v16  }
0x8b: {  	v11 =	vsel vm2, v11, v16  }
0x8c: {  	s14 =	sadd.s32 $0x10, s14;
	[tilespmem:v15+s22+$0x0] =	vst.idx.msk vm1, v13  }
0x8d: {  	s28 =	sadd.s32 $0x10, s28;
	v13 =	vld [tilespmem:s14+$0x0]  }
0x8e: {  	_ =	sdelay $0x2  }
0x8f: {  	v14 =	vor.u32 s0, v5  }
0x90: {  	vm2 =	vlt.u32 v14, v2;
	vm1 =	veq.s32 v13, $0x0  }
0x91: {  	vm1 =	vmand vm2, vm1  }
0x92: {  	v57 =	vsel vm1, $0x1, v3  }
0x93: {  	(xrf0) =	vadd.scan.msk.s32 $0xffff, v57;
	_ =	sdelay $0x5  }
0x94: {  	v13, _, _ =	vpop (xrf0)  }
0x95: {  	v14 =	vadd.s32 v0, v14;
	v15 =	vperm.xlane v13, v6  }
0x96: {  	v16 =	vor.u32 $0x80000000, v14  }
0x97: {  	v16 =	vnsel vm1, $0x7FFFFFFF, v16;
	v15 =	vadd.s32 v12, v15  }
0x98: {  	(xrf0) =	vmax.scan.msk.u32 $0xffff, v16;
	v15 =	vxor.u32 $0x80000000, v15  }
0x99: {  	(xrf0) =	vmax.scan.msk.u32 $0xffff, v15;
	_ =	sdelay $0x4  }
0x9a: {  	v58, _, _ =	vpop (xrf0)  }
0x9b: {  	v59, _, _ =	vpop (xrf0)  }
0x9c: {  	(v2sf) =	vpush v59, $0xF;
	_ =	sdelay $0xe  }
0x9d: {  	v60 =	vadd.s32 v13, v12;
	s14 =	spop (v2sf)  }
0x9e: {  	v12 =	vadd.s32 $0xFFFFFFFF, v60;
	s4 =	sxor.u32 $0x80000000, s14;
	s0 =	sadd.s32 $0x8000001F, s14  }
0x9f: {  	v61 =	vxor.u32 $0x80000000, v58;
	v62 =	vadd.s32 s4, v5;
	s16 =	sand.u32 $0x1F, s0  }
0xa0: {  	v13 =	vperm.xlane v61, v6;
	v63 =	vadd.s32 s4, v7;
	s14 =	sshra.s32 s0, $0x1F;
	p0 =	slt.s32 s0, $0x1;
	p1 =	sne.s32 s16, $0x0  }
0xa1: {  	s28 =	simm.s32 $0x0;
	s14 =	sshrl.u32 s14, $0x1B;
	p0 =	por !p0, !p1  }
0xa2: {  	vm2 =	vgt.s32 v11, v13;
	s4 =	simm.s32 $0x1;
	s0 =	sadd.s32 s14, s0;
	p0 =	por !p0, !p0  }
0xa3: {  	s30 =	simm.s32 $0x1010;
	[tilespmem:v12+s22+$0x0] =	vst.idx.msk vm1, v14;
	v11 =	vsel vm2, v11, v13;
	s0 =	sshra.s32 s0, $0x5;
	s4 =	simm.s32 @!p0 $0x0  }
.Ltmp10:
0xa4: {  	s16 =	rddreg [dreg:$0x9];
	[tilespmem:v62+s22+$0x0] =	vst.idx.msk $0xffff, v11;
	s29 =	ssub.s32 s0, s4;
	(pc) =	sbr.rel .LBB2_17-.Ltmp10, $4  }
0xa5: {  	s0 =	rddreg [dreg:$0xd];
	[tilespmem:v63+s22+$0x0] =	vst.idx.msk $0xffff, v11;
	p0 =	sgt.s32 s29, $0x31;
	s14 =	smov.u32 s29  }
0xa6: {  	[tilespmem:s24], [sflag:$0x2] =	stream.linear.gather [hbm4b:s16+s28], $0x4000, $0x38;
	[tilespmem:$0x17680] =	vst v63  }
0xa7: {  	s31 =	simm.s32 $0x1D10;
	s16 =	rddreg [dreg:$0xa];
	s14 =	simm.s32 @!p0 $0x31  }
0xa8: {  	[tilespmem:s25], [sflag:$0x2] =	stream.linear.gather [hbm4b:s16+s28], $0x4000, $0x38;
	[tilespmem:$0x17680] =	vst v63  }
.LBB2_29:
0xa9: {  	_ =	swait.ge [sflag:s15], $0x4000  }
0xaa: {  	[sflag:s15] =	ssyncset.done $0x0  }
0xab: {  	[sflag:s15] =	ssyncadd.s32 $0xFFFFC000  }
.LBB2_30:
0xac: {  	s16 =	sshrl.u32 s0, $0x3  }
0xad: {  	s16 =	sadd.s32 s1, s16  }
0xae: {  	[tilespmem:s4], [sflag:$0x2] =	stream.linear.gather [hbm4b:s16+s5], $0x4000, $0x38;
	[tilespmem:$0x17680] =	vst v63  }
.LBB2_31:
0xaf: {  	s28 =	sadd.s32 $0x1, s28  }
0xb0: {  	p0 =	sne.s32 s14, s28  }
.Ltmp11:
0xb1: {  	_ = 	snop;
	(pc) =	sbr.rel @!p0 .LBB2_32-.Ltmp11, $2  }
0xb2: {  	_ =	sdelay $0x2  }
0xb3: {  	s0 =	sadd.s32 $0x4000, s0;
	s30 =	sadd.s32 $0x20, s30;
	s31 =	sadd.s32 $0x20, s31  }
.LBB2_17:
0xb4: {  	p0 =	sge.s32 s28, s29  }
0xb5: {  	v11 =	vld @!p0 [tilespmem:s31+$0xFFFFFFF0];
	_ =	sdelay $0x4  }
0xb6: {  	v12 =	vshll.u32 @!p0 v11, $0x2  }
0xb7: {  	v13 =	vlaneseq.u32 @!p0;
	v11 =	vand.u32 @!p0 $0x7, v11;
	v12 =	vand.u32 @!p0 $0xFFFFFFE0, v12  }
0xb8: {  	v14 =	vshrl.u32 @!p0 v13, $0x3;
	v11 =	vor.u32 @!p0 v11, v12;
	v12 =	vand.u32 @!p0 $0x7, v13  }
0xb9: {  	v14 =	vmul.u32 @!p0 $0x8, v14;
	v15 =	vperm.xlane @!p0 v11, v12;
	_ =	sdelay $0x1  }
0xba: {  	v15 =	vadd.s32 @!p0 v14, v15  }
0xbb: {  	v13 =	vor.u32 @!p0 $0x8, v13  }
0xbc: {  	v11 =	vperm.xlane @!p0 v11, v13;
	_ =	sdelay $0x1  }
0xbd: {  	vm1 =	vmmov @!p0 $0xffff;
	s4 =	simm.s32 @!p0 $0x0;
	s16 =	simm.s32 @!p0 $0x3680;
	v11 =	vadd.s32 @!p0 v14, v11  }
0xbe: {  	[hbm4b:s3+s4] =	stream.indirect_vreg.scatter @!p0 [tilespmem:s16], [sflag:$0x1], $0x80, v15, vm1, $0xb8;
	[tilespmem:$0x17680] =	vst v63  }
0xbf: {  	s16 =	simm.s32 @!p0 $0x3E80  }
0xc0: {  	[hbm4b:s12+s4] =	stream.indirect_vreg.scatter @!p0 [tilespmem:s16], [sflag:$0x1], $0x80, v15, vm1, $0xb8;
	[tilespmem:$0x17680] =	vst v63  }
0xc1: {  	s16 =	simm.s32 @!p0 $0x4680  }
0xc2: {  	[hbm4b:s3+s4] =	stream.indirect_vreg.scatter @!p0 [tilespmem:s16], [sflag:$0x1], $0x80, v11, vm1, $0xb8;
	[tilespmem:$0x17680] =	vst v63  }
0xc3: {  	s16 =	simm.s32 @!p0 $0x4E80  }
0xc4: {  	[hbm4b:s12+s4] =	stream.indirect_vreg.scatter @!p0 [tilespmem:s16], [sflag:$0x1], $0x80, v11, vm1, $0xb8;
	[tilespmem:$0x17680] =	vst v63  }
0xc5: {  	v11 =	vld @!p0 [tilespmem:s31+$0x0];
	_ =	sdelay $0x4  }
0xc6: {  	v15 =	vshll.u32 @!p0 v11, $0x2  }
0xc7: {  	v11 =	vand.u32 @!p0 $0x7, v11;
	v15 =	vand.u32 @!p0 $0xFFFFFFE0, v15  }
0xc8: {  	v11 =	vor.u32 @!p0 v11, v15  }
0xc9: {  	v12 =	vperm.xlane @!p0 v11, v12;
	_ =	sdelay $0x1  }
0xca: {  	v12 =	vadd.s32 @!p0 v14, v12;
	_ =	sdelay $0x1  }
0xcb: {  	v11 =	vperm.xlane @!p0 v11, v13;
	_ =	sdelay $0x1  }
0xcc: {  	s16 =	simm.s32 @!p0 $0x5680;
	v11 =	vadd.s32 @!p0 v14, v11  }
0xcd: {  	[hbm4b:s3+s4] =	stream.indirect_vreg.scatter @!p0 [tilespmem:s16], [sflag:$0x1], $0x80, v12, vm1, $0xb8;
	[tilespmem:$0x17680] =	vst v63  }
0xce: {  	s16 =	simm.s32 @!p0 $0x5E80  }
0xcf: {  	[hbm4b:s12+s4] =	stream.indirect_vreg.scatter @!p0 [tilespmem:s16], [sflag:$0x1], $0x80, v12, vm1, $0xb8;
	[tilespmem:$0x17680] =	vst v63  }
0xd0: {  	s16 =	simm.s32 @!p0 $0x6680  }
0xd1: {  	[hbm4b:s3+s4] =	stream.indirect_vreg.scatter @!p0 [tilespmem:s16], [sflag:$0x1], $0x80, v11, vm1, $0xb8;
	[tilespmem:$0x17680] =	vst v63  }
0xd2: {  	s16 =	simm.s32 @!p0 $0x6E80  }
0xd3: {  	[hbm4b:s12+s4] =	stream.indirect_vreg.scatter @!p0 [tilespmem:s16], [sflag:$0x1], $0x80, v11, vm1, $0xb8;
	[tilespmem:$0x17680] =	vst v63  }
0xd4: {  	p0 =	sgt.u32 s28, $0x30  }
.Ltmp12:
0xd5: {  	_ = 	snop;
	(pc) =	sbr.rel @p0 .LBB2_31-.Ltmp12, $1  }
0xd6: {  	_ =	sdelay $0x3  }
0xd7: {  	_ =	swait.ge [sflag:s26], $0x4000  }
0xd8: {  	[sflag:s26] =	ssyncset.done $0x0  }
0xd9: {  	[sflag:s26] =	ssyncadd.s32 $0xFFFFC000  }
0xda: {  	v11 =	vld [tilespmem:s30+$0xFFFFFFF0];
	_ =	sdelay $0x3  }
0xdb: {  	s4 =	sand.u32 $0x3, s28  }
0xdc: {  	p0 =	sgt.s32 s4, $0x1;
	v12 =	vshll.u32 v11, $0x2  }
.Ltmp13:
0xdd: {  	v11 =	vand.u32 $0x7, v11;
	v12 =	vand.u32 $0xFFFFFFE0, v12;
	(pc) =	sbr.rel @p0 .LBB2_26-.Ltmp13, $3  }
0xde: {  	v12 =	vor.u32 v11, v12  }
0xdf: {  	v11 =	vperm.xlane v12, v8;
	_ =	sdelay $0x1  }
0xe0: {  	v12 =	vperm.xlane v12, v10;
	v11 =	vadd.s32 v9, v11  }
0xe1: {  	p0 =	seq.s32 s4, $0x0  }
.Ltmp14:
0xe2: {  	_ = 	snop;
	(pc) =	sbr.rel @!p0 .LBB2_22-.Ltmp14, $2  }
0xe3: {  	_ =	sdelay $0x2  }
0xe4: {  	v12 =	vadd.s32 v9, v12  }
0xe5: {  	_ =	sdelay $0x3  }
0xe6: {  	[hbm4b:s3+s5] =	stream.indirect_vreg.scatter [tilespmem:s24], [sflag:$0x3], $0x80, v11, vm0, $0xb8;
	[tilespmem:$0x17680] =	vst v63  }
0xe7: {  	s4 =	simm.s32 $0x7E80  }
0xe8: {  	[hbm4b:s12+s5] =	stream.indirect_vreg.scatter [tilespmem:s4], [sflag:$0x3], $0x80, v11, vm0, $0xb8;
	[tilespmem:$0x17680] =	vst v63  }
0xe9: {  	s16 =	simm.s32 $0x8680  }
0xea: {  	[hbm4b:s3+s5] =	stream.indirect_vreg.scatter [tilespmem:s16], [sflag:$0x3], $0x80, v12, vm0, $0xb8;
	[tilespmem:$0x17680] =	vst v63  }
0xeb: {  	s16 =	simm.s32 $0x8E80  }
0xec: {  	[hbm4b:s12+s5] =	stream.indirect_vreg.scatter [tilespmem:s16], [sflag:$0x3], $0x80, v12, vm0, $0xb8;
	[tilespmem:$0x17680] =	vst v63  }
0xed: {  	v11 =	vld [tilespmem:s30+$0x0];
	_ =	sdelay $0x4  }
0xee: {  	v63 =	vshll.u32 v11, $0x2  }
0xef: {  	v11 =	vand.u32 $0x7, v11;
	v12 =	vand.u32 $0xFFFFFFE0, v63  }
0xf0: {  	v11 =	vor.u32 v11, v12  }
0xf1: {  	v12 =	vperm.xlane v11, v8;
	_ =	sdelay $0x1  }
0xf2: {  	v12 =	vadd.s32 v9, v12;
	_ =	sdelay $0x2  }
0xf3: {  	v11 =	vperm.xlane v11, v10  }
0xf4: {  	s16 =	simm.s32 $0x9680  }
0xf5: {  	v11 =	vadd.s32 v9, v11;
	[hbm4b:s3+s5] =	stream.indirect_vreg.scatter [tilespmem:s16], [sflag:$0x3], $0x80, v12, vm0, $0xb8;
	[tilespmem:$0x17680] =	vst v63  }
0xf6: {  	p0 =	sgt.u32 s28, $0x2E;
	s16 =	simm.s32 $0x9E80  }
0xf7: {  	[hbm4b:s12+s5] =	stream.indirect_vreg.scatter [tilespmem:s16], [sflag:$0x3], $0x80, v12, vm0, $0xb8;
	[tilespmem:$0x17680] =	vst v63  }
.Ltmp15:
0xf8: {  	_ = 	snop;
	(pc) =	sbr.rel @p0 .LBB2_31-.Ltmp15, $4  }
0xf9: {  	s16 =	simm.s32 $0xA680  }
0xfa: {  	[hbm4b:s3+s5] =	stream.indirect_vreg.scatter [tilespmem:s16], [sflag:$0x3], $0x80, v11, vm0, $0xb8;
	[tilespmem:$0x17680] =	vst v63  }
0xfb: {  	s16 =	simm.s32 $0xAE80  }
0xfc: {  	[hbm4b:s12+s5] =	stream.indirect_vreg.scatter [tilespmem:s16], [sflag:$0x3], $0x80, v11, vm0, $0xb8;
	[tilespmem:$0x17680] =	vst v63  }
0xfd: {  	p0 =	sgt.u32 s28, $0x1  }
.Ltmp16:
0xfe: {  	_ = 	snop;
	(pc) =	sbr.rel @p0 .LBB2_29-.Ltmp16, $4  }
.Ltmp17:
0xff: {  	_ = 	snop;
	(pc) =	sbr.rel @!p0 .LBB2_30-.Ltmp17, $4  }
0x100: {  	_ = 	snop  }
0x101: {  	_ = 	snop  }
0x102: {  	s4 =	simm.s32 $0xF680  }
0x103: {  	_ = 	snop  }
.LBB2_26:
0x104: {  	p1 =	seq.s32 s4, $0x2  }
.Ltmp18:
0x105: {  	_ = 	snop;
	(pc) =	sbr.rel @!p1 .LBB2_27-.Ltmp18, $2  }
0x106: {  	_ =	sdelay $0x2  }
0x107: {  	p0 =	sgt.u32 s28, $0x2E;
	v12 =	vadd.s32 v9, v12  }
0x108: {  	_ =	sdelay $0x2  }
0x109: {  	s4 =	simm.s32 $0xF680  }
0x10a: {  	[hbm4b:s3+s5] =	stream.indirect_vreg.scatter [tilespmem:s4], [sflag:$0x3], $0x80, v11, vm0, $0xb8;
	[tilespmem:$0x17680] =	vst v63  }
0x10b: {  	s16 =	simm.s32 $0xFE80  }
0x10c: {  	[hbm4b:s12+s5] =	stream.indirect_vreg.scatter [tilespmem:s16], [sflag:$0x3], $0x80, v11, vm0, $0xb8;
	[tilespmem:$0x17680] =	vst v63  }
0x10d: {  	s16 =	simm.s32 $0x10680  }
0x10e: {  	[hbm4b:s3+s5] =	stream.indirect_vreg.scatter [tilespmem:s16], [sflag:$0x3], $0x80, v12, vm0, $0xb8;
	[tilespmem:$0x17680] =	vst v63  }
0x10f: {  	s16 =	simm.s32 $0x10E80  }
0x110: {  	[hbm4b:s12+s5] =	stream.indirect_vreg.scatter [tilespmem:s16], [sflag:$0x3], $0x80, v12, vm0, $0xb8;
	[tilespmem:$0x17680] =	vst v63  }
0x111: {  	v11 =	vld [tilespmem:s30+$0x0];
	_ =	sdelay $0x4  }
0x112: {  	v63 =	vshll.u32 v11, $0x2  }
0x113: {  	v11 =	vand.u32 $0x7, v11;
	v12 =	vand.u32 $0xFFFFFFE0, v63  }
0x114: {  	v11 =	vor.u32 v11, v12  }
0x115: {  	v12 =	vperm.xlane v11, v8;
	_ =	sdelay $0x1  }
0x116: {  	v12 =	vadd.s32 v9, v12;
	_ =	sdelay $0x2  }
0x117: {  	v11 =	vperm.xlane v11, v10  }
0x118: {  	s16 =	simm.s32 $0x11680  }
0x119: {  	v11 =	vadd.s32 v9, v11;
	[hbm4b:s3+s5] =	stream.indirect_vreg.scatter [tilespmem:s16], [sflag:$0x3], $0x80, v12, vm0, $0xb8;
	[tilespmem:$0x17680] =	vst v63  }
0x11a: {  	s16 =	simm.s32 $0x11E80  }
0x11b: {  	[hbm4b:s12+s5] =	stream.indirect_vreg.scatter [tilespmem:s16], [sflag:$0x3], $0x80, v12, vm0, $0xb8;
	[tilespmem:$0x17680] =	vst v63  }
.Ltmp19:
0x11c: {  	_ = 	snop;
	(pc) =	sbr.rel @p0 .LBB2_31-.Ltmp19, $4  }
0x11d: {  	s16 =	simm.s32 $0x12680  }
0x11e: {  	[hbm4b:s3+s5] =	stream.indirect_vreg.scatter [tilespmem:s16], [sflag:$0x3], $0x80, v11, vm0, $0xb8;
	[tilespmem:$0x17680] =	vst v63  }
0x11f: {  	s16 =	simm.s32 $0x12E80  }
0x120: {  	[hbm4b:s12+s5] =	stream.indirect_vreg.scatter [tilespmem:s16], [sflag:$0x3], $0x80, v11, vm0, $0xb8;
	[tilespmem:$0x17680] =	vst v63  }
0x121: {  	p0 =	sgt.u32 s28, $0x1  }
.Ltmp20:
0x122: {  	_ = 	snop;
	(pc) =	sbr.rel @p0 .LBB2_29-.Ltmp20, $4  }
.Ltmp21:
0x123: {  	_ = 	snop;
	(pc) =	sbr.rel @!p0 .LBB2_30-.Ltmp21, $4  }
0x124: {  	_ = 	snop  }
0x125: {  	_ = 	snop  }
0x126: {  	s4 =	simm.s32 $0x7680  }
0x127: {  	_ = 	snop  }
.LBB2_22:
0x128: {  	_ =	sdelay $0x3  }
0x129: {  	[hbm4b:s3+s5] =	stream.indirect_vreg.scatter [tilespmem:s25], [sflag:$0x3], $0x80, v11, vm0, $0xb8;
	[tilespmem:$0x17680] =	vst v63  }
0x12a: {  	s4 =	simm.s32 $0xBE80  }
0x12b: {  	[hbm4b:s12+s5] =	stream.indirect_vreg.scatter [tilespmem:s4], [sflag:$0x3], $0x80, v11, vm0, $0xb8;
	[tilespmem:$0x17680] =	vst v63  }
0x12c: {  	s16 =	simm.s32 $0xC680  }
0x12d: {  	[hbm4b:s3+s5] =	stream.indirect_vreg.scatter [tilespmem:s16], [sflag:$0x3], $0x80, v12, vm0, $0xb8;
	[tilespmem:$0x17680] =	vst v63  }
0x12e: {  	s16 =	simm.s32 $0xCE80  }
0x12f: {  	[hbm4b:s12+s5] =	stream.indirect_vreg.scatter [tilespmem:s16], [sflag:$0x3], $0x80, v12, vm0, $0xb8;
	[tilespmem:$0x17680] =	vst v63  }
0x130: {  	v11 =	vld [tilespmem:s30+$0x0];
	_ =	sdelay $0x4  }
0x131: {  	v63 =	vshll.u32 v11, $0x2  }
0x132: {  	v11 =	vand.u32 $0x7, v11;
	v12 =	vand.u32 $0xFFFFFFE0, v63  }
0x133: {  	v11 =	vor.u32 v11, v12  }
0x134: {  	v12 =	vperm.xlane v11, v8;
	_ =	sdelay $0x1  }
0x135: {  	v12 =	vadd.s32 v9, v12;
	_ =	sdelay $0x2  }
0x136: {  	v11 =	vperm.xlane v11, v10  }
0x137: {  	s16 =	simm.s32 $0xD680  }
0x138: {  	v11 =	vadd.s32 v9, v11;
	[hbm4b:s3+s5] =	stream.indirect_vreg.scatter [tilespmem:s16], [sflag:$0x3], $0x80, v12, vm0, $0xb8;
	[tilespmem:$0x17680] =	vst v63  }
0x139: {  	p0 =	sgt.u32 s28, $0x2E;
	s16 =	simm.s32 $0xDE80  }
0x13a: {  	[hbm4b:s12+s5] =	stream.indirect_vreg.scatter [tilespmem:s16], [sflag:$0x3], $0x80, v12, vm0, $0xb8;
	[tilespmem:$0x17680] =	vst v63  }
.Ltmp22:
0x13b: {  	_ = 	snop;
	(pc) =	sbr.rel @p0 .LBB2_31-.Ltmp22, $4  }
0x13c: {  	s16 =	simm.s32 $0xE680  }
0x13d: {  	[hbm4b:s3+s5] =	stream.indirect_vreg.scatter [tilespmem:s16], [sflag:$0x3], $0x80, v11, vm0, $0xb8;
	[tilespmem:$0x17680] =	vst v63  }
0x13e: {  	s16 =	simm.s32 $0xEE80  }
0x13f: {  	[hbm4b:s12+s5] =	stream.indirect_vreg.scatter [tilespmem:s16], [sflag:$0x3], $0x80, v11, vm0, $0xb8;
	[tilespmem:$0x17680] =	vst v63  }
0x140: {  	p0 =	sgt.u32 s28, $0x1  }
.Ltmp23:
0x141: {  	_ = 	snop;
	(pc) =	sbr.rel @p0 .LBB2_29-.Ltmp23, $4  }
.Ltmp24:
0x142: {  	_ = 	snop;
	(pc) =	sbr.rel @!p0 .LBB2_30-.Ltmp24, $4  }
0x143: {  	_ = 	snop  }
0x144: {  	_ = 	snop  }
0x145: {  	s4 =	simm.s32 $0x13680  }
0x146: {  	_ = 	snop  }
.LBB2_27:
0x147: {  	_ =	sdelay $0x2  }
0x148: {  	s4 =	simm.s32 $0x13680  }
0x149: {  	[hbm4b:s3+s5] =	stream.indirect_vreg.scatter [tilespmem:s4], [sflag:$0x3], $0x80, v11, vm0, $0xb8;
	[tilespmem:$0x17680] =	vst v63  }
0x14a: {  	_ = 	snop  }
0x14b: {  	[hbm4b:s12+s5] =	stream.indirect_vreg.scatter [tilespmem:s18], [sflag:$0x3], $0x80, v11, vm0, $0xb8;
	[tilespmem:$0x17680] =	vst v63  }
0x14c: {  	_ = 	snop  }
0x14d: {  	[hbm4b:s3+s5] =	stream.indirect_vreg.scatter [tilespmem:s6], [sflag:$0x3], $0x80, v12, vm0, $0xb8;
	[tilespmem:$0x17680] =	vst v63  }
0x14e: {  	_ = 	snop  }
0x14f: {  	[hbm4b:s12+s5] =	stream.indirect_vreg.scatter [tilespmem:s7], [sflag:$0x3], $0x80, v12, vm0, $0xb8;
	[tilespmem:$0x17680] =	vst v63  }
0x150: {  	v11 =	vld [tilespmem:s30+$0x0];
	_ =	sdelay $0x4  }
0x151: {  	v63 =	vshll.u32 v11, $0x2  }
0x152: {  	v11 =	vand.u32 $0x7, v11;
	v12 =	vand.u32 $0xFFFFFFE0, v63  }
0x153: {  	v11 =	vor.u32 v11, v12  }
0x154: {  	v12 =	vperm.xlane v11, v8;
	_ =	sdelay $0x1  }
0x155: {  	v12 =	vadd.s32 v9, v12;
	_ =	sdelay $0x2  }
0x156: {  	v11 =	vperm.xlane v11, v10;
	_ =	sdelay $0x1  }
0x157: {  	v11 =	vadd.s32 v9, v11;
	[hbm4b:s3+s5] =	stream.indirect_vreg.scatter [tilespmem:s8], [sflag:$0x3], $0x80, v12, vm0, $0xb8;
	[tilespmem:$0x17680] =	vst v63  }
0x158: {  	_ = 	snop  }
0x159: {  	[hbm4b:s12+s5] =	stream.indirect_vreg.scatter [tilespmem:s9], [sflag:$0x3], $0x80, v12, vm0, $0xb8;
	[tilespmem:$0x17680] =	vst v63  }
.Ltmp25:
0x15a: {  	_ = 	snop;
	(pc) =	sbr.rel @p0 .LBB2_31-.Ltmp25, $4  }
0x15b: {  	_ = 	snop  }
0x15c: {  	[hbm4b:s3+s5] =	stream.indirect_vreg.scatter [tilespmem:s11], [sflag:$0x3], $0x80, v11, vm0, $0xb8;
	[tilespmem:$0x17680] =	vst v63  }
0x15d: {  	_ = 	snop  }
0x15e: {  	[hbm4b:s12+s5] =	stream.indirect_vreg.scatter [tilespmem:s13], [sflag:$0x3], $0x80, v11, vm0, $0xb8;
	[tilespmem:$0x17680] =	vst v63  }
0x15f: {  	p0 =	sgt.u32 s28, $0x1  }
.Ltmp26:
0x160: {  	_ = 	snop;
	(pc) =	sbr.rel @!p0 .LBB2_30-.Ltmp26, $4  }
.Ltmp27:
0x161: {  	_ = 	snop;
	(pc) =	sbr.rel @p0 .LBB2_29-.Ltmp27, $4  }
0x162: {  	_ = 	snop  }
0x163: {  	_ = 	snop  }
0x164: {  	s4 =	simm.s32 $0xB680  }
0x165: {  	_ = 	snop  }
.LBB2_32:
0x166: {  	_ =	swait.ge [sflag:s15], $0x4000  }
0x167: {  	[sflag:s15] =	ssyncset.done $0x0  }
0x168: {  	[sflag:s15] =	ssyncadd.s32 $0xFFFFC000  }
0x169: {  	_ =	swait.ge [sflag:s15], $0x4000  }
0x16a: {  	[sflag:s15] =	ssyncset.done $0x0  }
0x16b: {  	[sflag:s15] =	ssyncadd.s32 $0xFFFFC000  }
0x16c: {  	p0 =	slt.s32 s29, $0x1;
	_ =	swait.ge [sflag:s15], $0x4000  }
.Ltmp28:
0x16d: {  	[sflag:s15] =	ssyncset.done $0x0;
	(pc) =	sbr.rel @p0 .LBB2_36-.Ltmp28, $4  }
0x16e: {  	[sflag:s15] =	ssyncadd.s32 $0xFFFFC000  }
0x16f: {  	_ =	swait.ge [sflag:s15], $0x4000  }
0x170: {  	[sflag:s15] =	ssyncset.done $0x0  }
0x171: {  	[sflag:s15] =	ssyncadd.s32 $0xFFFFC000  }
0x172: {  	p0 =	sne.s32 s29, $0x1  }
.Ltmp29:
0x173: {  	_ = 	snop;
	(pc) =	sbr.rel @!p0 .LBB2_35-.Ltmp29, $3  }
0x174: {  	_ =	sdelay $0x1  }
0x175: {  	_ =	swait.ge [sflag:s23], $0x4000  }
0x176: {  	s0 =	sadd.s32 $0xFFFFFFFF, s29;
	[sflag:s23] =	ssyncset.done $0x0  }
.LBB2_34:
0x177: {  	p0 =	sne.s32 s0, $0x1;
	s0 =	sadd.s32 $0xFFFFFFFF, s0;
	[sflag:s23] =	ssyncadd.s32 $0xFFFFC000  }
.Ltmp30:
0x178: {  	(pc) =	sbr.rel @p0 .LBB2_34-.Ltmp30, $3  }
0x179: {  	_ =	sdelay $0x1  }
0x17a: {  	_ =	swait.ge [sflag:s23], $0x4000  }
0x17b: {  	[sflag:s23] =	ssyncset.done $0x0  }
.Ltmp31:
0x17c: {  	_ = 	snop;
	(pc) =	sbr.rel .LBB2_35-.Ltmp31, $1  }
0x17d: {  	_ =	sdelay $0x3  }
.LBB2_37:
0x17e: {  	_ =	sfence.sel $0x180000  }
0x17f: {  	[bflag:$0x0] =	sbarrier.arrive $0xFFFF  }
0x180: {  	_ =	strace $0x90000047  }
0x181: {  	s0 =	stileid.u32;
	[bflag:$0x2] =	sbarrier.arrive $0xFFFF  }
0x182: {  	p0 =	sne.s32 s0, $0x0;
	s0 =	rddreg [dreg:$0x4]  }
0x183: {  	s0 =	sadd.s32 @!p0 $0x100000, s0  }
0x184: {  	[sflag:s0] =	ssyncadd.tile.s32 @!p0 $0x1;
	_ =	shalt  }
.Lfunc_end2:
_tile_overlayer_lowered:
.L_overlay_start_2:
0x185: {  	(tag) =	ssettag $0x2  }
0x186: {  	s0 =	rddreg [dreg:$0x0];
	s2 =	stileid.u32  }
0x187: {  	s1 =	rddreg [dreg:$0x1];
	p0 =	sne.s32 s2, $0x0  }
0x188: {  	s3 =	rddreg [dreg:$0x2];
	[bflag:$0x3] =	sbarrier.arrive $0xFFFF;
	s2 =	simm.s32 @!p0 $0x1C05  }
0x189: {  	[timem:s3], [sflag:s2] =	dma.local @!p0 [hbm:s0], s1  }
0x18a: {  	s0 =	simm.s32 @!p0 $0x5  }
0x18b: {  	_ =	swait.ge @!p0 [sflag:s0], s1  }
0x18c: {  	s1 =	ssub.s32 @!p0 $0x0, s1;
	[sflag:s0] =	ssyncset.done @!p0 $0x0  }
0x18d: {  	[sflag:s0] =	ssyncadd.s32 @!p0 s1  }
0x18e: {  	[bflag:$0x3] =	sbarrier.arrive $0xFFFF  }
0x18f: {  	_ =	shalt  }

</sc_bundles>
